<compile_context>
chip_gen: v7x
topology: tpu7x:2x2x1
jax: 0.10.2.dev20260603
libtpu: 0.0.44.dev20260713+nightly
codegen_flags: <defaults>
</compile_context>

<pallas_src>
import functools

import jax
import jax.numpy as jnp
from jax import lax
from jax.experimental import pallas as pl
from jax.experimental.pallas import tpu as pltpu
from jax.experimental.pallas import tpu_sc as plsc

_NC = 2
_NS = 16
_NW = _NC * _NS

_BI = 128
_PK = 4
_CI = 64


def _sc_gather_both(table, idx2):
    m = idx2.shape[1]
    d = table.shape[1]
    bpw = m // _NS
    gbw = bpw // _PK
    grp = m // _PK
    mesh = plsc.VectorSubcoreMesh(core_axis_name="c", subcore_axis_name="s")

    @functools.partial(
        pl.kernel,
        mesh=mesh,
        out_type=[
            jax.ShapeDtypeStruct((m, 2 * d), table.dtype),
            jax.ShapeDtypeStruct((grp, 2 * _PK * d), table.dtype),
        ],
        scratch_types=[
            pltpu.VMEM((bpw,), jnp.int32),
            pltpu.VMEM((bpw, d), table.dtype),
            pltpu.VMEM((bpw,), jnp.int32),
            pltpu.VMEM((bpw, d), table.dtype),
            pltpu.SemaphoreType.DMA,
        ],
    )
    def gather_kernel(table_hbm, idx2_hbm, g_hbm, gjp_hbm,
                      idx_v, rows_v, idxp_v, rowsp_v, sem):
        half = lax.axis_index("c")
        s = lax.axis_index("s")
        rbase = s * bpw
        gbase = s * gbw

        def do(row, coff):
            pltpu.sync_copy(idx2_hbm.at[row, pl.ds(rbase, bpw)], idx_v)
            pltpu.async_copy(table_hbm.at[idx_v], rows_v, sem).wait()
            pltpu.sync_copy(rows_v,
                            g_hbm.at[pl.ds(rbase, bpw), pl.ds(coff, d)])
            for t in range(_PK):
                pltpu.sync_copy(idx2_hbm.at[row, pl.ds(t * grp + gbase, gbw)],
                                idxp_v.at[pl.ds(t * gbw, gbw)])
            pltpu.async_copy(table_hbm.at[idxp_v], rowsp_v, sem).wait()
            for t in range(_PK):
                pltpu.sync_copy(
                    rowsp_v.at[pl.ds(t * gbw, gbw)],
                    gjp_hbm.at[pl.ds(gbase, gbw),
                               pl.ds(t * 2 * d + coff, d)])

        @pl.when(half == 0)
        def _():
            do(0, 0)

        @pl.when(half == 1)
        def _():
            do(1, d)

    return gather_kernel(table, idx2)


def _pair_ffnn_body(gi_ref, gjp_ref, w1_ref, b1_ref, wout_ref, bout_ref,
                    out_ref, wlw_s, wrbd_s, b1w_s, woutp_s, boutp_s):
    d2 = w1_ref.shape[0] // 2
    h = w1_ref.shape[1]
    od = wout_ref.shape[1]
    bjp = gjp_ref.shape[0]
    hw = _PK * h
    ow = _PK * od
    ncb = ow // 8

    @pl.when(pl.program_id(0) == 0)
    def _prep():
        w1 = w1_ref[...]
        wl = w1[:d2]
        wr = w1[d2:]
        wlw_s[...] = jnp.concatenate([wl] * _PK, axis=1)
        zr = jnp.zeros_like(wr)
        for t in range(_PK):
            wrbd_s[pl.ds(t * d2, d2)] = jnp.concatenate(
                [wr if u == t else zr for u in range(_PK)], axis=1)
        b1w_s[...] = jnp.concatenate([b1_ref[...]] * _PK, axis=1)
        wout = wout_ref[...]
        zo = jnp.zeros((h, 8), jnp.float32)
        for t in range(_PK):
            woutp_s[pl.ds(t * h, h)] = jnp.concatenate(
                [wout[:, (cb // _PK) * 8:(cb // _PK) * 8 + 8]
                 if cb % _PK == t else zo for cb in range(ncb)], axis=1)
        bo = bout_ref[...]
        boutp_s[...] = jnp.concatenate(
            [bo[:, (cb // _PK) * 8:(cb // _PK) * 8 + 8] for cb in range(ncb)],
            axis=1)

    l = jnp.dot(gi_ref[...], wlw_s[...], preferred_element_type=jnp.float32)
    l = l + b1w_s[...]
    r = jnp.dot(gjp_ref[...], wrbd_s[...], preferred_element_type=jnp.float32)
    for c in range(_BI // _CI):
        lc = l[c * _CI:(c + 1) * _CI]
        hh = jnp.maximum(lc[:, None, :] + r[None, :, :], 0.0)
        o = jnp.dot(hh.reshape(_CI * bjp, hw), woutp_s[...],
                    preferred_element_type=jnp.float32)
        o = o + boutp_s[...]
        out_ref[pl.ds(c * _CI, _CI)] = jnp.transpose(
            o.reshape(_CI, bjp, ow), (0, 2, 1))


def kernel(subword_embeddings, begin_indexes, end_indexes, W1, b1, Wout, bout):
    m = begin_indexes.shape[0]
    d = subword_embeddings.shape[1]
    h_dim = W1.shape[1]
    out_dim = Wout.shape[1]
    pk = _PK
    grp = m // pk

    idx2 = jnp.stack([begin_indexes, end_indexes]).astype(jnp.int32)
    g, gjp = _sc_gather_both(subword_embeddings, idx2)

    grid = (m // _BI, 1)
    out = pl.pallas_call(
        _pair_ffnn_body,
        grid=grid,
        in_specs=[
            pl.BlockSpec((_BI, 2 * d), lambda i, j: (i, 0)),
            pl.BlockSpec((grp, pk * 2 * d), lambda i, j: (0, 0)),
            pl.BlockSpec((4 * d, h_dim), lambda i, j: (0, 0)),
            pl.BlockSpec((1, h_dim), lambda i, j: (0, 0)),
            pl.BlockSpec((h_dim, out_dim), lambda i, j: (0, 0)),
            pl.BlockSpec((1, out_dim), lambda i, j: (0, 0)),
        ],
        out_specs=pl.BlockSpec((_BI, pk * out_dim, grp), lambda i, j: (i, 0, j)),
        out_shape=jax.ShapeDtypeStruct((m, pk * out_dim, grp), jnp.float32),
        scratch_shapes=[
            pltpu.VMEM((2 * d, pk * h_dim), jnp.float32),
            pltpu.VMEM((pk * 2 * d, pk * h_dim), jnp.float32),
            pltpu.VMEM((1, pk * h_dim), jnp.float32),
            pltpu.VMEM((pk * h_dim, pk * out_dim), jnp.float32),
            pltpu.VMEM((1, pk * out_dim), jnp.float32),
        ],
    )(g, gjp, W1, b1.reshape(1, h_dim), Wout, bout.reshape(1, out_dim))
    out5 = out.reshape(m, out_dim // 8, pk, 8, grp)
    return out5.transpose(0, 2, 4, 1, 3).reshape(m, m, out_dim)

# --- scband reference (transcript-rebuilt; emitter-appended) ---
"""Pipeline reference for scband-nlp-89223650607633 (READ-ONLY COPY).

The authoritative reference and input builder live on the scoring server;
editing this copy changes nothing except your own understanding.
"""

import jax, jax.numpy as jnp
import numpy as np

N = 4096
D = 128
M = 512
H = 64
OUT = 32

def setup_inputs(seed: int = 0) -> dict:
    key = jax.random.key(seed)
    ks = jax.random.split(key, 8)
    subword_embeddings = jax.random.normal(ks[0], (N, D), dtype=jnp.float32)
    begin_indexes = jax.random.randint(ks[1], (M,), 0, N, dtype=jnp.int64) if jax.config.jax_enable_x64 else jax.random.randint(ks[1], (M,), 0, N).astype(jnp.int32)
    end_indexes = jax.random.randint(ks[2], (M,), 0, N).astype(begin_indexes.dtype)
    W1 = jax.random.normal(ks[3], (4 * D, H), dtype=jnp.float32) * 0.05
    b1 = jnp.zeros((H,), dtype=jnp.float32)
    Wout = jax.random.normal(ks[4], (H, OUT), dtype=jnp.float32) * 0.05
    bout = jnp.zeros((OUT,), dtype=jnp.float32)
    return {"subword_embeddings": subword_embeddings, "begin_indexes": begin_indexes, "end_indexes": end_indexes, "W1": W1, "b1": b1, "Wout": Wout, "bout": bout}

def reference(subword_embeddings, begin_indexes, end_indexes, W1, b1, Wout, bout):
    m = begin_indexes.shape[0]
    b_left = jnp.repeat(begin_indexes, m)
    b_right = jnp.tile(begin_indexes, m)
    e_left = jnp.repeat(end_indexes, m)
    e_right = jnp.tile(end_indexes, m)
    fb = jnp.repeat(jnp.arange(m), m)
    fe = jnp.tile(jnp.arange(m), m)
    b_1 = jnp.take(subword_embeddings, b_left, axis=0)
    e_1 = jnp.take(subword_embeddings, e_left, axis=0)
    b_2 = jnp.take(subword_embeddings, b_right, axis=0)
    e_2 = jnp.take(subword_embeddings, e_right, axis=0)
    cat = jnp.concatenate([b_1, e_1, b_2, e_2], axis=-1)
    h = jnp.maximum(cat @ W1 + b1, 0.0)  # FeedForward: Linear+ReLU (Dropout=eval identity)
    h = jnp.maximum(h, 0.0)              # explicit torch.relu in get_predictions
    bilinear_outputs = h @ Wout + bout
    out = jnp.zeros((m, m, bilinear_outputs.shape[-1]), dtype=bilinear_outputs.dtype)
    out = out.at[fb, fe].set(bilinear_outputs)
    return out

if __name__ == "__main__":
    import jax
    _d = setup_inputs()
    print(jax.jit(kernel)(*tuple(_d.values())))

</pallas_src>

<mosaic_0001>
#map = affine_map<(d0, d1) -> (0, 0)>
module attributes {stable_mosaic.version = 14 : i64} {
  func.func @gather_kernel(%arg0: i32, %arg1: i32, %arg2: memref<4096x128xf32, #tpu.memory_space<hbm>>, %arg3: memref<2x512xi32, #tpu.memory_space<hbm>>, %arg4: memref<512x256xf32, #tpu.memory_space<hbm>>, %arg5: memref<128x1024xf32, #tpu.memory_space<hbm>>, %arg6: memref<32xi32, #tpu.memory_space<vmem>>, %arg7: memref<32x128xf32, #tpu.memory_space<vmem>>, %arg8: memref<32xi32, #tpu.memory_space<vmem>>, %arg9: memref<32x128xf32, #tpu.memory_space<vmem>>, %arg10: memref<!tpu.dma_semaphore, #tpu.memory_space<semaphore_mem>>) attributes {dimension_semantics = [#tpu.dimension_semantics<core_parallel>, #tpu.dimension_semantics<subcore_parallel>], iteration_bounds = array<i64: 2, 16>, scalar_prefetch = 0 : i64, scratch_operands = 5 : i64, tpu.core_type = #tpu.core_type<sc_vector_subcore>, window_params = [{transform_indices = #map}, {transform_indices = #map}, {transform_indices = #map}, {transform_indices = #map}]} {
    %mul3A = arith.constant 32 : i32
    %mul3A_0 = arith.muli %arg1, %mul3A : i32
    %mul3A_1 = arith.constant 8 : i32
    %mul3A_2 = arith.muli %arg1, %mul3A_1 : i32
    %eq3A = arith.constant 0 : i32
    %eq3A_3 = arith.cmpi eq, %arg0, %eq3A : i32
    %convert_element_type3A = arith.extui %eq3A_3 : i1 to i32
    %cond3A = arith.constant 0 : i32
    %cond3A_4 = arith.cmpi ne, %convert_element_type3A, %cond3A : i32
    scf.if %cond3A_4 {
      %run_scoped3A = arith.constant 0 : i32
      "tpu.region"() ({
        %run_scoped3A_31 = tpu.sem_alloc : memref<!tpu.dma_semaphore, #tpu.memory_space<semaphore_mem>>
        %dma_start3A_32 = tpu.memref_slice %arg3[%run_scoped3A, %mul3A_0] : memref<2x512xi32, #tpu.memory_space<hbm>> -> memref<1x32xi32, #tpu.memory_space<hbm>>
        %dma_start3A_33 = tpu.memref_squeeze %dma_start3A_32 : memref<1x32xi32, #tpu.memory_space<hbm>> -> memref<32xi32, #tpu.memory_space<hbm>>
        %dma_start3A_34 = tpu.memref_slice %arg3[%run_scoped3A, %mul3A_0] : memref<2x512xi32, #tpu.memory_space<hbm>> -> memref<1x32xi32, #tpu.memory_space<hbm>>
        %dma_start3A_35 = tpu.memref_squeeze %dma_start3A_34 : memref<1x32xi32, #tpu.memory_space<hbm>> -> memref<32xi32, #tpu.memory_space<hbm>>
        tpu.enqueue_dma source(%dma_start3A_35 : memref<32xi32, #tpu.memory_space<hbm>>) target(%arg6 : memref<32xi32, #tpu.memory_space<vmem>>) target_semaphore(%run_scoped3A_31 : memref<!tpu.dma_semaphore, #tpu.memory_space<semaphore_mem>>)
        %dma_wait3A_36 = tpu.memref_slice %arg3[%run_scoped3A, %mul3A_0] : memref<2x512xi32, #tpu.memory_space<hbm>> -> memref<1x32xi32, #tpu.memory_space<hbm>>
        %dma_wait3A_37 = tpu.memref_squeeze %dma_wait3A_36 : memref<1x32xi32, #tpu.memory_space<hbm>> -> memref<32xi32, #tpu.memory_space<hbm>>
        %dma_wait3A_38 = tpu.memref_slice %arg3[%run_scoped3A, %mul3A_0] : memref<2x512xi32, #tpu.memory_space<hbm>> -> memref<1x32xi32, #tpu.memory_space<hbm>>
        %dma_wait3A_39 = tpu.memref_squeeze %dma_wait3A_38 : memref<1x32xi32, #tpu.memory_space<hbm>> -> memref<32xi32, #tpu.memory_space<hbm>>
        tpu.wait_dma2 semaphore(%run_scoped3A_31 : memref<!tpu.dma_semaphore, #tpu.memory_space<semaphore_mem>>) src(%dma_wait3A_39 : memref<32xi32, #tpu.memory_space<hbm>>) dst(%arg6 : memref<32xi32, #tpu.memory_space<vmem>>)
        tpu.yield
      }) : () -> ()
      %dma_start3A = arith.constant 0 : i32
      %dma_start3A_10 = arith.constant 0 : i32
      %dma_start3A_11 = tpu.memref_slice %arg2[%dma_start3A, %dma_start3A_10] : memref<4096x128xf32, #tpu.memory_space<hbm>> -> memref<4096x128xf32, #tpu.memory_space<hbm>>
      tpu.enqueue_indirect_dma source(%dma_start3A_11 : memref<4096x128xf32, #tpu.memory_space<hbm>>) target(%arg7 : memref<32x128xf32, #tpu.memory_space<vmem>>) offsets(%arg6 : memref<32xi32, #tpu.memory_space<vmem>>) semaphore(%arg10 : memref<!tpu.dma_semaphore, #tpu.memory_space<semaphore_mem>>)
      %dma_wait3A = arith.constant 0 : i32
      %dma_wait3A_12 = arith.constant 0 : i32
      %dma_wait3A_13 = tpu.memref_slice %arg2[%dma_wait3A, %dma_wait3A_12] : memref<4096x128xf32, #tpu.memory_space<hbm>> -> memref<4096x128xf32, #tpu.memory_space<hbm>>
      tpu.wait_indirect_dma semaphore(%arg10 : memref<!tpu.dma_semaphore, #tpu.memory_space<semaphore_mem>>) src(%dma_wait3A_13 : memref<4096x128xf32, #tpu.memory_space<hbm>>) dst(%arg7 : memref<32x128xf32, #tpu.memory_space<vmem>>)
      "tpu.region"() ({
        %run_scoped3A_31 = tpu.sem_alloc : memref<!tpu.dma_semaphore, #tpu.memory_space<semaphore_mem>>
        %dma_start3A_32 = arith.constant 0 : i32
        %dma_start3A_33 = tpu.memref_slice %arg4[%mul3A_0, %dma_start3A_32] : memref<512x256xf32, #tpu.memory_space<hbm>> -> memref<32x128xf32, #tpu.memory_space<hbm>>
        %dma_start3A_34 = arith.constant 0 : i32
        %dma_start3A_35 = tpu.memref_slice %arg4[%mul3A_0, %dma_start3A_34] : memref<512x256xf32, #tpu.memory_space<hbm>> -> memref<32x128xf32, #tpu.memory_space<hbm>>
        tpu.enqueue_dma source(%arg7 : memref<32x128xf32, #tpu.memory_space<vmem>>) target(%dma_start3A_35 : memref<32x128xf32, #tpu.memory_space<hbm>>) target_semaphore(%run_scoped3A_31 : memref<!tpu.dma_semaphore, #tpu.memory_space<semaphore_mem>>)
        %dma_wait3A_36 = arith.constant 0 : i32
        %dma_wait3A_37 = tpu.memref_slice %arg4[%mul3A_0, %dma_wait3A_36] : memref<512x256xf32, #tpu.memory_space<hbm>> -> memref<32x128xf32, #tpu.memory_space<hbm>>
        %dma_wait3A_38 = arith.constant 0 : i32
        %dma_wait3A_39 = tpu.memref_slice %arg4[%mul3A_0, %dma_wait3A_38] : memref<512x256xf32, #tpu.memory_space<hbm>> -> memref<32x128xf32, #tpu.memory_space<hbm>>
        tpu.wait_dma2 semaphore(%run_scoped3A_31 : memref<!tpu.dma_semaphore, #tpu.memory_space<semaphore_mem>>) src(%arg7 : memref<32x128xf32, #tpu.memory_space<vmem>>) dst(%dma_wait3A_39 : memref<32x128xf32, #tpu.memory_space<hbm>>)
        tpu.yield
      }) : () -> ()
      %add3A = arith.constant 0 : i32
      %add3A_14 = arith.addi %add3A, %mul3A_2 : i32
      %run_scoped3A_15 = arith.constant 0 : i32
      "tpu.region"() ({
        %run_scoped3A_31 = tpu.sem_alloc : memref<!tpu.dma_semaphore, #tpu.memory_space<semaphore_mem>>
        %dma_start3A_32 = arith.constant 0 : i32
        %dma_start3A_33 = tpu.memref_slice %arg8[%dma_start3A_32] : memref<32xi32, #tpu.memory_space<vmem>> -> memref<8xi32, #tpu.memory_space<vmem>>
        %dma_start3A_34 = tpu.memref_slice %arg3[%run_scoped3A_15, %add3A_14] : memref<2x512xi32, #tpu.memory_space<hbm>> -> memref<1x8xi32, #tpu.memory_space<hbm>>
        %dma_start3A_35 = tpu.memref_squeeze %dma_start3A_34 : memref<1x8xi32, #tpu.memory_space<hbm>> -> memref<8xi32, #tpu.memory_space<hbm>>
        %dma_start3A_36 = arith.constant 0 : i32
        %dma_start3A_37 = tpu.memref_slice %arg8[%dma_start3A_36] : memref<32xi32, #tpu.memory_space<vmem>> -> memref<8xi32, #tpu.memory_space<vmem>>
        %dma_start3A_38 = tpu.memref_slice %arg3[%run_scoped3A_15, %add3A_14] : memref<2x512xi32, #tpu.memory_space<hbm>> -> memref<1x8xi32, #tpu.memory_space<hbm>>
        %dma_start3A_39 = tpu.memref_squeeze %dma_start3A_38 : memref<1x8xi32, #tpu.memory_space<hbm>> -> memref<8xi32, #tpu.memory_space<hbm>>
        tpu.enqueue_dma source(%dma_start3A_39 : memref<8xi32, #tpu.memory_space<hbm>>) target(%dma_start3A_37 : memref<8xi32, #tpu.memory_space<vmem>>) target_semaphore(%run_scoped3A_31 : memref<!tpu.dma_semaphore, #tpu.memory_space<semaphore_mem>>)
        %dma_wait3A_40 = arith.constant 0 : i32
        %dma_wait3A_41 = tpu.memref_slice %arg8[%dma_wait3A_40] : memref<32xi32, #tpu.memory_space<vmem>> -> memref<8xi32, #tpu.memory_space<vmem>>
        %dma_wait3A_42 = tpu.memref_slice %arg3[%run_scoped3A_15, %add3A_14] : memref<2x512xi32, #tpu.memory_space<hbm>> -> memref<1x8xi32, #tpu.memory_space<hbm>>
        %dma_wait3A_43 = tpu.memref_squeeze %dma_wait3A_42 : memref<1x8xi32, #tpu.memory_space<hbm>> -> memref<8xi32, #tpu.memory_space<hbm>>
        %dma_wait3A_44 = arith.constant 0 : i32
        %dma_wait3A_45 = tpu.memref_slice %arg8[%dma_wait3A_44] : memref<32xi32, #tpu.memory_space<vmem>> -> memref<8xi32, #tpu.memory_space<vmem>>
        %dma_wait3A_46 = tpu.memref_slice %arg3[%run_scoped3A_15, %add3A_14] : memref<2x512xi32, #tpu.memory_space<hbm>> -> memref<1x8xi32, #tpu.memory_space<hbm>>
        %dma_wait3A_47 = tpu.memref_squeeze %dma_wait3A_46 : memref<1x8xi32, #tpu.memory_space<hbm>> -> memref<8xi32, #tpu.memory_space<hbm>>
        tpu.wait_dma2 semaphore(%run_scoped3A_31 : memref<!tpu.dma_semaphore, #tpu.memory_space<semaphore_mem>>) src(%dma_wait3A_47 : memref<8xi32, #tpu.memory_space<hbm>>) dst(%dma_wait3A_45 : memref<8xi32, #tpu.memory_space<vmem>>)
        tpu.yield
      }) : () -> ()
      %add3A_16 = arith.constant 128 : i32
      %add3A_17 = arith.addi %add3A_16, %mul3A_2 : i32
      %run_scoped3A_18 = arith.constant 0 : i32
      "tpu.region"() ({
        %run_scoped3A_31 = tpu.sem_alloc : memref<!tpu.dma_semaphore, #tpu.memory_space<semaphore_mem>>
        %dma_start3A_32 = arith.constant 8 : i32
        %dma_start3A_33 = tpu.memref_slice %arg8[%dma_start3A_32] : memref<32xi32, #tpu.memory_space<vmem>> -> memref<8xi32, #tpu.memory_space<vmem>>
        %dma_start3A_34 = tpu.memref_slice %arg3[%run_scoped3A_18, %add3A_17] : memref<2x512xi32, #tpu.memory_space<hbm>> -> memref<1x8xi32, #tpu.memory_space<hbm>>
        %dma_start3A_35 = tpu.memref_squeeze %dma_start3A_34 : memref<1x8xi32, #tpu.memory_space<hbm>> -> memref<8xi32, #tpu.memory_space<hbm>>
        %dma_start3A_36 = arith.constant 8 : i32
        %dma_start3A_37 = tpu.memref_slice %arg8[%dma_start3A_36] : memref<32xi32, #tpu.memory_space<vmem>> -> memref<8xi32, #tpu.memory_space<vmem>>
        %dma_start3A_38 = tpu.memref_slice %arg3[%run_scoped3A_18, %add3A_17] : memref<2x512xi32, #tpu.memory_space<hbm>> -> memref<1x8xi32, #tpu.memory_space<hbm>>
        %dma_start3A_39 = tpu.memref_squeeze %dma_start3A_38 : memref<1x8xi32, #tpu.memory_space<hbm>> -> memref<8xi32, #tpu.memory_space<hbm>>
        tpu.enqueue_dma source(%dma_start3A_39 : memref<8xi32, #tpu.memory_space<hbm>>) target(%dma_start3A_37 : memref<8xi32, #tpu.memory_space<vmem>>) target_semaphore(%run_scoped3A_31 : memref<!tpu.dma_semaphore, #tpu.memory_space<semaphore_mem>>)
        %dma_wait3A_40 = arith.constant 8 : i32
        %dma_wait3A_41 = tpu.memref_slice %arg8[%dma_wait3A_40] : memref<32xi32, #tpu.memory_space<vmem>> -> memref<8xi32, #tpu.memory_space<vmem>>
        %dma_wait3A_42 = tpu.memref_slice %arg3[%run_scoped3A_18, %add3A_17] : memref<2x512xi32, #tpu.memory_space<hbm>> -> memref<1x8xi32, #tpu.memory_space<hbm>>
        %dma_wait3A_43 = tpu.memref_squeeze %dma_wait3A_42 : memref<1x8xi32, #tpu.memory_space<hbm>> -> memref<8xi32, #tpu.memory_space<hbm>>
        %dma_wait3A_44 = arith.constant 8 : i32
        %dma_wait3A_45 = tpu.memref_slice %arg8[%dma_wait3A_44] : memref<32xi32, #tpu.memory_space<vmem>> -> memref<8xi32, #tpu.memory_space<vmem>>
        %dma_wait3A_46 = tpu.memref_slice %arg3[%run_scoped3A_18, %add3A_17] : memref<2x512xi32, #tpu.memory_space<hbm>> -> memref<1x8xi32, #tpu.memory_space<hbm>>
        %dma_wait3A_47 = tpu.memref_squeeze %dma_wait3A_46 : memref<1x8xi32, #tpu.memory_space<hbm>> -> memref<8xi32, #tpu.memory_space<hbm>>
        tpu.wait_dma2 semaphore(%run_scoped3A_31 : memref<!tpu.dma_semaphore, #tpu.memory_space<semaphore_mem>>) src(%dma_wait3A_47 : memref<8xi32, #tpu.memory_space<hbm>>) dst(%dma_wait3A_45 : memref<8xi32, #tpu.memory_space<vmem>>)
        tpu.yield
      }) : () -> ()
      %add3A_19 = arith.constant 256 : i32
      %add3A_20 = arith.addi %add3A_19, %mul3A_2 : i32
      %run_scoped3A_21 = arith.constant 0 : i32
      "tpu.region"() ({
        %run_scoped3A_31 = tpu.sem_alloc : memref<!tpu.dma_semaphore, #tpu.memory_space<semaphore_mem>>
        %dma_start3A_32 = arith.constant 16 : i32
        %dma_start3A_33 = tpu.memref_slice %arg8[%dma_start3A_32] : memref<32xi32, #tpu.memory_space<vmem>> -> memref<8xi32, #tpu.memory_space<vmem>>
        %dma_start3A_34 = tpu.memref_slice %arg3[%run_scoped3A_21, %add3A_20] : memref<2x512xi32, #tpu.memory_space<hbm>> -> memref<1x8xi32, #tpu.memory_space<hbm>>
        %dma_start3A_35 = tpu.memref_squeeze %dma_start3A_34 : memref<1x8xi32, #tpu.memory_space<hbm>> -> memref<8xi32, #tpu.memory_space<hbm>>
        %dma_start3A_36 = arith.constant 16 : i32
        %dma_start3A_37 = tpu.memref_slice %arg8[%dma_start3A_36] : memref<32xi32, #tpu.memory_space<vmem>> -> memref<8xi32, #tpu.memory_space<vmem>>
        %dma_start3A_38 = tpu.memref_slice %arg3[%run_scoped3A_21, %add3A_20] : memref<2x512xi32, #tpu.memory_space<hbm>> -> memref<1x8xi32, #tpu.memory_space<hbm>>
        %dma_start3A_39 = tpu.memref_squeeze %dma_start3A_38 : memref<1x8xi32, #tpu.memory_space<hbm>> -> memref<8xi32, #tpu.memory_space<hbm>>
        tpu.enqueue_dma source(%dma_start3A_39 : memref<8xi32, #tpu.memory_space<hbm>>) target(%dma_start3A_37 : memref<8xi32, #tpu.memory_space<vmem>>) target_semaphore(%run_scoped3A_31 : memref<!tpu.dma_semaphore, #tpu.memory_space<semaphore_mem>>)
        %dma_wait3A_40 = arith.constant 16 : i32
        %dma_wait3A_41 = tpu.memref_slice %arg8[%dma_wait3A_40] : memref<32xi32, #tpu.memory_space<vmem>> -> memref<8xi32, #tpu.memory_space<vmem>>
        %dma_wait3A_42 = tpu.memref_slice %arg3[%run_scoped3A_21, %add3A_20] : memref<2x512xi32, #tpu.memory_space<hbm>> -> memref<1x8xi32, #tpu.memory_space<hbm>>
        %dma_wait3A_43 = tpu.memref_squeeze %dma_wait3A_42 : memref<1x8xi32, #tpu.memory_space<hbm>> -> memref<8xi32, #tpu.memory_space<hbm>>
        %dma_wait3A_44 = arith.constant 16 : i32
        %dma_wait3A_45 = tpu.memref_slice %arg8[%dma_wait3A_44] : memref<32xi32, #tpu.memory_space<vmem>> -> memref<8xi32, #tpu.memory_space<vmem>>
        %dma_wait3A_46 = tpu.memref_slice %arg3[%run_scoped3A_21, %add3A_20] : memref<2x512xi32, #tpu.memory_space<hbm>> -> memref<1x8xi32, #tpu.memory_space<hbm>>
        %dma_wait3A_47 = tpu.memref_squeeze %dma_wait3A_46 : memref<1x8xi32, #tpu.memory_space<hbm>> -> memref<8xi32, #tpu.memory_space<hbm>>
        tpu.wait_dma2 semaphore(%run_scoped3A_31 : memref<!tpu.dma_semaphore, #tpu.memory_space<semaphore_mem>>) src(%dma_wait3A_47 : memref<8xi32, #tpu.memory_space<hbm>>) dst(%dma_wait3A_45 : memref<8xi32, #tpu.memory_space<vmem>>)
        tpu.yield
      }) : () -> ()
      %add3A_22 = arith.constant 384 : i32
      %add3A_23 = arith.addi %add3A_22, %mul3A_2 : i32
      %run_scoped3A_24 = arith.constant 0 : i32
      "tpu.region"() ({
        %run_scoped3A_31 = tpu.sem_alloc : memref<!tpu.dma_semaphore, #tpu.memory_space<semaphore_mem>>
        %dma_start3A_32 = arith.constant 24 : i32
        %dma_start3A_33 = tpu.memref_slice %arg8[%dma_start3A_32] : memref<32xi32, #tpu.memory_space<vmem>> -> memref<8xi32, #tpu.memory_space<vmem>>
        %dma_start3A_34 = tpu.memref_slice %arg3[%run_scoped3A_24, %add3A_23] : memref<2x512xi32, #tpu.memory_space<hbm>> -> memref<1x8xi32, #tpu.memory_space<hbm>>
        %dma_start3A_35 = tpu.memref_squeeze %dma_start3A_34 : memref<1x8xi32, #tpu.memory_space<hbm>> -> memref<8xi32, #tpu.memory_space<hbm>>
        %dma_start3A_36 = arith.constant 24 : i32
        %dma_start3A_37 = tpu.memref_slice %arg8[%dma_start3A_36] : memref<32xi32, #tpu.memory_space<vmem>> -> memref<8xi32, #tpu.memory_space<vmem>>
        %dma_start3A_38 = tpu.memref_slice %arg3[%run_scoped3A_24, %add3A_23] : memref<2x512xi32, #tpu.memory_space<hbm>> -> memref<1x8xi32, #tpu.memory_space<hbm>>
        %dma_start3A_39 = tpu.memref_squeeze %dma_start3A_38 : memref<1x8xi32, #tpu.memory_space<hbm>> -> memref<8xi32, #tpu.memory_space<hbm>>
        tpu.enqueue_dma source(%dma_start3A_39 : memref<8xi32, #tpu.memory_space<hbm>>) target(%dma_start3A_37 : memref<8xi32, #tpu.memory_space<vmem>>) target_semaphore(%run_scoped3A_31 : memref<!tpu.dma_semaphore, #tpu.memory_space<semaphore_mem>>)
        %dma_wait3A_40 = arith.constant 24 : i32
        %dma_wait3A_41 = tpu.memref_slice %arg8[%dma_wait3A_40] : memref<32xi32, #tpu.memory_space<vmem>> -> memref<8xi32, #tpu.memory_space<vmem>>
        %dma_wait3A_42 = tpu.memref_slice %arg3[%run_scoped3A_24, %add3A_23] : memref<2x512xi32, #tpu.memory_space<hbm>> -> memref<1x8xi32, #tpu.memory_space<hbm>>
        %dma_wait3A_43 = tpu.memref_squeeze %dma_wait3A_42 : memref<1x8xi32, #tpu.memory_space<hbm>> -> memref<8xi32, #tpu.memory_space<hbm>>
        %dma_wait3A_44 = arith.constant 24 : i32
        %dma_wait3A_45 = tpu.memref_slice %arg8[%dma_wait3A_44] : memref<32xi32, #tpu.memory_space<vmem>> -> memref<8xi32, #tpu.memory_space<vmem>>
        %dma_wait3A_46 = tpu.memref_slice %arg3[%run_scoped3A_24, %add3A_23] : memref<2x512xi32, #tpu.memory_space<hbm>> -> memref<1x8xi32, #tpu.memory_space<hbm>>
        %dma_wait3A_47 = tpu.memref_squeeze %dma_wait3A_46 : memref<1x8xi32, #tpu.memory_space<hbm>> -> memref<8xi32, #tpu.memory_space<hbm>>
        tpu.wait_dma2 semaphore(%run_scoped3A_31 : memref<!tpu.dma_semaphore, #tpu.memory_space<semaphore_mem>>) src(%dma_wait3A_47 : memref<8xi32, #tpu.memory_space<hbm>>) dst(%dma_wait3A_45 : memref<8xi32, #tpu.memory_space<vmem>>)
        tpu.yield
      }) : () -> ()
      %dma_start3A_25 = arith.constant 0 : i32
      %dma_start3A_26 = arith.constant 0 : i32
      %dma_start3A_27 = tpu.memref_slice %arg2[%dma_start3A_25, %dma_start3A_26] : memref<4096x128xf32, #tpu.memory_space<hbm>> -> memref<4096x128xf32, #tpu.memory_space<hbm>>
      tpu.enqueue_indirect_dma source(%dma_start3A_27 : memref<4096x128xf32, #tpu.memory_space<hbm>>) target(%arg9 : memref<32x128xf32, #tpu.memory_space<vmem>>) offsets(%arg8 : memref<32xi32, #tpu.memory_space<vmem>>) semaphore(%arg10 : memref<!tpu.dma_semaphore, #tpu.memory_space<semaphore_mem>>)
      %dma_wait3A_28 = arith.constant 0 : i32
      %dma_wait3A_29 = arith.constant 0 : i32
      %dma_wait3A_30 = tpu.memref_slice %arg2[%dma_wait3A_28, %dma_wait3A_29] : memref<4096x128xf32, #tpu.memory_space<hbm>> -> memref<4096x128xf32, #tpu.memory_space<hbm>>
      tpu.wait_indirect_dma semaphore(%arg10 : memref<!tpu.dma_semaphore, #tpu.memory_space<semaphore_mem>>) src(%dma_wait3A_30 : memref<4096x128xf32, #tpu.memory_space<hbm>>) dst(%arg9 : memref<32x128xf32, #tpu.memory_space<vmem>>)
      "tpu.region"() ({
        %run_scoped3A_31 = tpu.sem_alloc : memref<!tpu.dma_semaphore, #tpu.memory_space<semaphore_mem>>
        %dma_start3A_32 = arith.constant 0 : i32
        %dma_start3A_33 = arith.constant 0 : i32
        %dma_start3A_34 = tpu.memref_slice %arg9[%dma_start3A_32, %dma_start3A_33] : memref<32x128xf32, #tpu.memory_space<vmem>> -> memref<8x128xf32, #tpu.memory_space<vmem>>
        %dma_start3A_35 = arith.constant 0 : i32
        %dma_start3A_36 = tpu.memref_slice %arg5[%mul3A_2, %dma_start3A_35] : memref<128x1024xf32, #tpu.memory_space<hbm>> -> memref<8x128xf32, #tpu.memory_space<hbm>>
        %dma_start3A_37 = arith.constant 0 : i32
        %dma_start3A_38 = tpu.memref_slice %arg5[%mul3A_2, %dma_start3A_37] : memref<128x1024xf32, #tpu.memory_space<hbm>> -> memref<8x128xf32, #tpu.memory_space<hbm>>
        %dma_start3A_39 = arith.constant 0 : i32
        %dma_start3A_40 = arith.constant 0 : i32
        %dma_start3A_41 = tpu.memref_slice %arg9[%dma_start3A_39, %dma_start3A_40] : memref<32x128xf32, #tpu.memory_space<vmem>> -> memref<8x128xf32, #tpu.memory_space<vmem>>
        tpu.enqueue_dma source(%dma_start3A_41 : memref<8x128xf32, #tpu.memory_space<vmem>>) target(%dma_start3A_38 : memref<8x128xf32, #tpu.memory_space<hbm>>) target_semaphore(%run_scoped3A_31 : memref<!tpu.dma_semaphore, #tpu.memory_space<semaphore_mem>>)
        %dma_wait3A_42 = arith.constant 0 : i32
        %dma_wait3A_43 = arith.constant 0 : i32
        %dma_wait3A_44 = tpu.memref_slice %arg9[%dma_wait3A_42, %dma_wait3A_43] : memref<32x128xf32, #tpu.memory_space<vmem>> -> memref<8x128xf32, #tpu.memory_space<vmem>>
        %dma_wait3A_45 = arith.constant 0 : i32
        %dma_wait3A_46 = tpu.memref_slice %arg5[%mul3A_2, %dma_wait3A_45] : memref<128x1024xf32, #tpu.memory_space<hbm>> -> memref<8x128xf32, #tpu.memory_space<hbm>>
        %dma_wait3A_47 = arith.constant 0 : i32
        %dma_wait3A_48 = tpu.memref_slice %arg5[%mul3A_2, %dma_wait3A_47] : memref<128x1024xf32, #tpu.memory_space<hbm>> -> memref<8x128xf32, #tpu.memory_space<hbm>>
        %dma_wait3A_49 = arith.constant 0 : i32
        %dma_wait3A_50 = arith.constant 0 : i32
        %dma_wait3A_51 = tpu.memref_slice %arg9[%dma_wait3A_49, %dma_wait3A_50] : memref<32x128xf32, #tpu.memory_space<vmem>> -> memref<8x128xf32, #tpu.memory_space<vmem>>
        tpu.wait_dma2 semaphore(%run_scoped3A_31 : memref<!tpu.dma_semaphore, #tpu.memory_space<semaphore_mem>>) src(%dma_wait3A_51 : memref<8x128xf32, #tpu.memory_space<vmem>>) dst(%dma_wait3A_48 : memref<8x128xf32, #tpu.memory_space<hbm>>)
        tpu.yield
      }) : () -> ()
      "tpu.region"() ({
        %run_scoped3A_31 = tpu.sem_alloc : memref<!tpu.dma_semaphore, #tpu.memory_space<semaphore_mem>>
        %dma_start3A_32 = arith.constant 8 : i32
        %dma_start3A_33 = arith.constant 0 : i32
        %dma_start3A_34 = tpu.memref_slice %arg9[%dma_start3A_32, %dma_start3A_33] : memref<32x128xf32, #tpu.memory_space<vmem>> -> memref<8x128xf32, #tpu.memory_space<vmem>>
        %dma_start3A_35 = arith.constant 256 : i32
        %dma_start3A_36 = tpu.memref_slice %arg5[%mul3A_2, %dma_start3A_35] : memref<128x1024xf32, #tpu.memory_space<hbm>> -> memref<8x128xf32, #tpu.memory_space<hbm>>
        %dma_start3A_37 = arith.constant 256 : i32
        %dma_start3A_38 = tpu.memref_slice %arg5[%mul3A_2, %dma_start3A_37] : memref<128x1024xf32, #tpu.memory_space<hbm>> -> memref<8x128xf32, #tpu.memory_space<hbm>>
        %dma_start3A_39 = arith.constant 8 : i32
        %dma_start3A_40 = arith.constant 0 : i32
        %dma_start3A_41 = tpu.memref_slice %arg9[%dma_start3A_39, %dma_start3A_40] : memref<32x128xf32, #tpu.memory_space<vmem>> -> memref<8x128xf32, #tpu.memory_space<vmem>>
        tpu.enqueue_dma source(%dma_start3A_41 : memref<8x128xf32, #tpu.memory_space<vmem>>) target(%dma_start3A_38 : memref<8x128xf32, #tpu.memory_space<hbm>>) target_semaphore(%run_scoped3A_31 : memref<!tpu.dma_semaphore, #tpu.memory_space<semaphore_mem>>)
        %dma_wait3A_42 = arith.constant 8 : i32
        %dma_wait3A_43 = arith.constant 0 : i32
        %dma_wait3A_44 = tpu.memref_slice %arg9[%dma_wait3A_42, %dma_wait3A_43] : memref<32x128xf32, #tpu.memory_space<vmem>> -> memref<8x128xf32, #tpu.memory_space<vmem>>
        %dma_wait3A_45 = arith.constant 256 : i32
        %dma_wait3A_46 = tpu.memref_slice %arg5[%mul3A_2, %dma_wait3A_45] : memref<128x1024xf32, #tpu.memory_space<hbm>> -> memref<8x128xf32, #tpu.memory_space<hbm>>
        %dma_wait3A_47 = arith.constant 256 : i32
        %dma_wait3A_48 = tpu.memref_slice %arg5[%mul3A_2, %dma_wait3A_47] : memref<128x1024xf32, #tpu.memory_space<hbm>> -> memref<8x128xf32, #tpu.memory_space<hbm>>
        %dma_wait3A_49 = arith.constant 8 : i32
        %dma_wait3A_50 = arith.constant 0 : i32
        %dma_wait3A_51 = tpu.memref_slice %arg9[%dma_wait3A_49, %dma_wait3A_50] : memref<32x128xf32, #tpu.memory_space<vmem>> -> memref<8x128xf32, #tpu.memory_space<vmem>>
        tpu.wait_dma2 semaphore(%run_scoped3A_31 : memref<!tpu.dma_semaphore, #tpu.memory_space<semaphore_mem>>) src(%dma_wait3A_51 : memref<8x128xf32, #tpu.memory_space<vmem>>) dst(%dma_wait3A_48 : memref<8x128xf32, #tpu.memory_space<hbm>>)
        tpu.yield
      }) : () -> ()
      "tpu.region"() ({
        %run_scoped3A_31 = tpu.sem_alloc : memref<!tpu.dma_semaphore, #tpu.memory_space<semaphore_mem>>
        %dma_start3A_32 = arith.constant 16 : i32
        %dma_start3A_33 = arith.constant 0 : i32
        %dma_start3A_34 = tpu.memref_slice %arg9[%dma_start3A_32, %dma_start3A_33] : memref<32x128xf32, #tpu.memory_space<vmem>> -> memref<8x128xf32, #tpu.memory_space<vmem>>
        %dma_start3A_35 = arith.constant 512 : i32
        %dma_start3A_36 = tpu.memref_slice %arg5[%mul3A_2, %dma_start3A_35] : memref<128x1024xf32, #tpu.memory_space<hbm>> -> memref<8x128xf32, #tpu.memory_space<hbm>>
        %dma_start3A_37 = arith.constant 512 : i32
        %dma_start3A_38 = tpu.memref_slice %arg5[%mul3A_2, %dma_start3A_37] : memref<128x1024xf32, #tpu.memory_space<hbm>> -> memref<8x128xf32, #tpu.memory_space<hbm>>
        %dma_start3A_39 = arith.constant 16 : i32
        %dma_start3A_40 = arith.constant 0 : i32
        %dma_start3A_41 = tpu.memref_slice %arg9[%dma_start3A_39, %dma_start3A_40] : memref<32x128xf32, #tpu.memory_space<vmem>> -> memref<8x128xf32, #tpu.memory_space<vmem>>
        tpu.enqueue_dma source(%dma_start3A_41 : memref<8x128xf32, #tpu.memory_space<vmem>>) target(%dma_start3A_38 : memref<8x128xf32, #tpu.memory_space<hbm>>) target_semaphore(%run_scoped3A_31 : memref<!tpu.dma_semaphore, #tpu.memory_space<semaphore_mem>>)
        %dma_wait3A_42 = arith.constant 16 : i32
        %dma_wait3A_43 = arith.constant 0 : i32
        %dma_wait3A_44 = tpu.memref_slice %arg9[%dma_wait3A_42, %dma_wait3A_43] : memref<32x128xf32, #tpu.memory_space<vmem>> -> memref<8x128xf32, #tpu.memory_space<vmem>>
        %dma_wait3A_45 = arith.constant 512 : i32
        %dma_wait3A_46 = tpu.memref_slice %arg5[%mul3A_2, %dma_wait3A_45] : memref<128x1024xf32, #tpu.memory_space<hbm>> -> memref<8x128xf32, #tpu.memory_space<hbm>>
        %dma_wait3A_47 = arith.constant 512 : i32
        %dma_wait3A_48 = tpu.memref_slice %arg5[%mul3A_2, %dma_wait3A_47] : memref<128x1024xf32, #tpu.memory_space<hbm>> -> memref<8x128xf32, #tpu.memory_space<hbm>>
        %dma_wait3A_49 = arith.constant 16 : i32
        %dma_wait3A_50 = arith.constant 0 : i32
        %dma_wait3A_51 = tpu.memref_slice %arg9[%dma_wait3A_49, %dma_wait3A_50] : memref<32x128xf32, #tpu.memory_space<vmem>> -> memref<8x128xf32, #tpu.memory_space<vmem>>
        tpu.wait_dma2 semaphore(%run_scoped3A_31 : memref<!tpu.dma_semaphore, #tpu.memory_space<semaphore_mem>>) src(%dma_wait3A_51 : memref<8x128xf32, #tpu.memory_space<vmem>>) dst(%dma_wait3A_48 : memref<8x128xf32, #tpu.memory_space<hbm>>)
        tpu.yield
      }) : () -> ()
      "tpu.region"() ({
        %run_scoped3A_31 = tpu.sem_alloc : memref<!tpu.dma_semaphore, #tpu.memory_space<semaphore_mem>>
        %dma_start3A_32 = arith.constant 24 : i32
        %dma_start3A_33 = arith.constant 0 : i32
        %dma_start3A_34 = tpu.memref_slice %arg9[%dma_start3A_32, %dma_start3A_33] : memref<32x128xf32, #tpu.memory_space<vmem>> -> memref<8x128xf32, #tpu.memory_space<vmem>>
        %dma_start3A_35 = arith.constant 768 : i32
        %dma_start3A_36 = tpu.memref_slice %arg5[%mul3A_2, %dma_start3A_35] : memref<128x1024xf32, #tpu.memory_space<hbm>> -> memref<8x128xf32, #tpu.memory_space<hbm>>
        %dma_start3A_37 = arith.constant 768 : i32
        %dma_start3A_38 = tpu.memref_slice %arg5[%mul3A_2, %dma_start3A_37] : memref<128x1024xf32, #tpu.memory_space<hbm>> -> memref<8x128xf32, #tpu.memory_space<hbm>>
        %dma_start3A_39 = arith.constant 24 : i32
        %dma_start3A_40 = arith.constant 0 : i32
        %dma_start3A_41 = tpu.memref_slice %arg9[%dma_start3A_39, %dma_start3A_40] : memref<32x128xf32, #tpu.memory_space<vmem>> -> memref<8x128xf32, #tpu.memory_space<vmem>>
        tpu.enqueue_dma source(%dma_start3A_41 : memref<8x128xf32, #tpu.memory_space<vmem>>) target(%dma_start3A_38 : memref<8x128xf32, #tpu.memory_space<hbm>>) target_semaphore(%run_scoped3A_31 : memref<!tpu.dma_semaphore, #tpu.memory_space<semaphore_mem>>)
        %dma_wait3A_42 = arith.constant 24 : i32
        %dma_wait3A_43 = arith.constant 0 : i32
        %dma_wait3A_44 = tpu.memref_slice %arg9[%dma_wait3A_42, %dma_wait3A_43] : memref<32x128xf32, #tpu.memory_space<vmem>> -> memref<8x128xf32, #tpu.memory_space<vmem>>
        %dma_wait3A_45 = arith.constant 768 : i32
        %dma_wait3A_46 = tpu.memref_slice %arg5[%mul3A_2, %dma_wait3A_45] : memref<128x1024xf32, #tpu.memory_space<hbm>> -> memref<8x128xf32, #tpu.memory_space<hbm>>
        %dma_wait3A_47 = arith.constant 768 : i32
        %dma_wait3A_48 = tpu.memref_slice %arg5[%mul3A_2, %dma_wait3A_47] : memref<128x1024xf32, #tpu.memory_space<hbm>> -> memref<8x128xf32, #tpu.memory_space<hbm>>
        %dma_wait3A_49 = arith.constant 24 : i32
        %dma_wait3A_50 = arith.constant 0 : i32
        %dma_wait3A_51 = tpu.memref_slice %arg9[%dma_wait3A_49, %dma_wait3A_50] : memref<32x128xf32, #tpu.memory_space<vmem>> -> memref<8x128xf32, #tpu.memory_space<vmem>>
        tpu.wait_dma2 semaphore(%run_scoped3A_31 : memref<!tpu.dma_semaphore, #tpu.memory_space<semaphore_mem>>) src(%dma_wait3A_51 : memref<8x128xf32, #tpu.memory_space<vmem>>) dst(%dma_wait3A_48 : memref<8x128xf32, #tpu.memory_space<hbm>>)
        tpu.yield
      }) : () -> ()
    } else {
    }
    %eq3A_5 = arith.constant 1 : i32
    %eq3A_6 = arith.cmpi eq, %arg0, %eq3A_5 : i32
    %convert_element_type3A_7 = arith.extui %eq3A_6 : i1 to i32
    %cond3A_8 = arith.constant 0 : i32
    %cond3A_9 = arith.cmpi ne, %convert_element_type3A_7, %cond3A_8 : i32
    scf.if %cond3A_9 {
      %run_scoped3A = arith.constant 1 : i32
      "tpu.region"() ({
        %run_scoped3A_31 = tpu.sem_alloc : memref<!tpu.dma_semaphore, #tpu.memory_space<semaphore_mem>>
        %dma_start3A_32 = tpu.memref_slice %arg3[%run_scoped3A, %mul3A_0] : memref<2x512xi32, #tpu.memory_space<hbm>> -> memref<1x32xi32, #tpu.memory_space<hbm>>
        %dma_start3A_33 = tpu.memref_squeeze %dma_start3A_32 : memref<1x32xi32, #tpu.memory_space<hbm>> -> memref<32xi32, #tpu.memory_space<hbm>>
        %dma_start3A_34 = tpu.memref_slice %arg3[%run_scoped3A, %mul3A_0] : memref<2x512xi32, #tpu.memory_space<hbm>> -> memref<1x32xi32, #tpu.memory_space<hbm>>
        %dma_start3A_35 = tpu.memref_squeeze %dma_start3A_34 : memref<1x32xi32, #tpu.memory_space<hbm>> -> memref<32xi32, #tpu.memory_space<hbm>>
        tpu.enqueue_dma source(%dma_start3A_35 : memref<32xi32, #tpu.memory_space<hbm>>) target(%arg6 : memref<32xi32, #tpu.memory_space<vmem>>) target_semaphore(%run_scoped3A_31 : memref<!tpu.dma_semaphore, #tpu.memory_space<semaphore_mem>>)
        %dma_wait3A_36 = tpu.memref_slice %arg3[%run_scoped3A, %mul3A_0] : memref<2x512xi32, #tpu.memory_space<hbm>> -> memref<1x32xi32, #tpu.memory_space<hbm>>
        %dma_wait3A_37 = tpu.memref_squeeze %dma_wait3A_36 : memref<1x32xi32, #tpu.memory_space<hbm>> -> memref<32xi32, #tpu.memory_space<hbm>>
        %dma_wait3A_38 = tpu.memref_slice %arg3[%run_scoped3A, %mul3A_0] : memref<2x512xi32, #tpu.memory_space<hbm>> -> memref<1x32xi32, #tpu.memory_space<hbm>>
        %dma_wait3A_39 = tpu.memref_squeeze %dma_wait3A_38 : memref<1x32xi32, #tpu.memory_space<hbm>> -> memref<32xi32, #tpu.memory_space<hbm>>
        tpu.wait_dma2 semaphore(%run_scoped3A_31 : memref<!tpu.dma_semaphore, #tpu.memory_space<semaphore_mem>>) src(%dma_wait3A_39 : memref<32xi32, #tpu.memory_space<hbm>>) dst(%arg6 : memref<32xi32, #tpu.memory_space<vmem>>)
        tpu.yield
      }) : () -> ()
      %dma_start3A = arith.constant 0 : i32
      %dma_start3A_10 = arith.constant 0 : i32
      %dma_start3A_11 = tpu.memref_slice %arg2[%dma_start3A, %dma_start3A_10] : memref<4096x128xf32, #tpu.memory_space<hbm>> -> memref<4096x128xf32, #tpu.memory_space<hbm>>
      tpu.enqueue_indirect_dma source(%dma_start3A_11 : memref<4096x128xf32, #tpu.memory_space<hbm>>) target(%arg7 : memref<32x128xf32, #tpu.memory_space<vmem>>) offsets(%arg6 : memref<32xi32, #tpu.memory_space<vmem>>) semaphore(%arg10 : memref<!tpu.dma_semaphore, #tpu.memory_space<semaphore_mem>>)
      %dma_wait3A = arith.constant 0 : i32
      %dma_wait3A_12 = arith.constant 0 : i32
      %dma_wait3A_13 = tpu.memref_slice %arg2[%dma_wait3A, %dma_wait3A_12] : memref<4096x128xf32, #tpu.memory_space<hbm>> -> memref<4096x128xf32, #tpu.memory_space<hbm>>
      tpu.wait_indirect_dma semaphore(%arg10 : memref<!tpu.dma_semaphore, #tpu.memory_space<semaphore_mem>>) src(%dma_wait3A_13 : memref<4096x128xf32, #tpu.memory_space<hbm>>) dst(%arg7 : memref<32x128xf32, #tpu.memory_space<vmem>>)
      "tpu.region"() ({
        %run_scoped3A_31 = tpu.sem_alloc : memref<!tpu.dma_semaphore, #tpu.memory_space<semaphore_mem>>
        %dma_start3A_32 = arith.constant 128 : i32
        %dma_start3A_33 = tpu.memref_slice %arg4[%mul3A_0, %dma_start3A_32] : memref<512x256xf32, #tpu.memory_space<hbm>> -> memref<32x128xf32, #tpu.memory_space<hbm>>
        %dma_start3A_34 = arith.constant 128 : i32
        %dma_start3A_35 = tpu.memref_slice %arg4[%mul3A_0, %dma_start3A_34] : memref<512x256xf32, #tpu.memory_space<hbm>> -> memref<32x128xf32, #tpu.memory_space<hbm>>
        tpu.enqueue_dma source(%arg7 : memref<32x128xf32, #tpu.memory_space<vmem>>) target(%dma_start3A_35 : memref<32x128xf32, #tpu.memory_space<hbm>>) target_semaphore(%run_scoped3A_31 : memref<!tpu.dma_semaphore, #tpu.memory_space<semaphore_mem>>)
        %dma_wait3A_36 = arith.constant 128 : i32
        %dma_wait3A_37 = tpu.memref_slice %arg4[%mul3A_0, %dma_wait3A_36] : memref<512x256xf32, #tpu.memory_space<hbm>> -> memref<32x128xf32, #tpu.memory_space<hbm>>
        %dma_wait3A_38 = arith.constant 128 : i32
        %dma_wait3A_39 = tpu.memref_slice %arg4[%mul3A_0, %dma_wait3A_38] : memref<512x256xf32, #tpu.memory_space<hbm>> -> memref<32x128xf32, #tpu.memory_space<hbm>>
        tpu.wait_dma2 semaphore(%run_scoped3A_31 : memref<!tpu.dma_semaphore, #tpu.memory_space<semaphore_mem>>) src(%arg7 : memref<32x128xf32, #tpu.memory_space<vmem>>) dst(%dma_wait3A_39 : memref<32x128xf32, #tpu.memory_space<hbm>>)
        tpu.yield
      }) : () -> ()
      %add3A = arith.constant 0 : i32
      %add3A_14 = arith.addi %add3A, %mul3A_2 : i32
      %run_scoped3A_15 = arith.constant 1 : i32
      "tpu.region"() ({
        %run_scoped3A_31 = tpu.sem_alloc : memref<!tpu.dma_semaphore, #tpu.memory_space<semaphore_mem>>
        %dma_start3A_32 = arith.constant 0 : i32
        %dma_start3A_33 = tpu.memref_slice %arg8[%dma_start3A_32] : memref<32xi32, #tpu.memory_space<vmem>> -> memref<8xi32, #tpu.memory_space<vmem>>
        %dma_start3A_34 = tpu.memref_slice %arg3[%run_scoped3A_15, %add3A_14] : memref<2x512xi32, #tpu.memory_space<hbm>> -> memref<1x8xi32, #tpu.memory_space<hbm>>
        %dma_start3A_35 = tpu.memref_squeeze %dma_start3A_34 : memref<1x8xi32, #tpu.memory_space<hbm>> -> memref<8xi32, #tpu.memory_space<hbm>>
        %dma_start3A_36 = arith.constant 0 : i32
        %dma_start3A_37 = tpu.memref_slice %arg8[%dma_start3A_36] : memref<32xi32, #tpu.memory_space<vmem>> -> memref<8xi32, #tpu.memory_space<vmem>>
        %dma_start3A_38 = tpu.memref_slice %arg3[%run_scoped3A_15, %add3A_14] : memref<2x512xi32, #tpu.memory_space<hbm>> -> memref<1x8xi32, #tpu.memory_space<hbm>>
        %dma_start3A_39 = tpu.memref_squeeze %dma_start3A_38 : memref<1x8xi32, #tpu.memory_space<hbm>> -> memref<8xi32, #tpu.memory_space<hbm>>
        tpu.enqueue_dma source(%dma_start3A_39 : memref<8xi32, #tpu.memory_space<hbm>>) target(%dma_start3A_37 : memref<8xi32, #tpu.memory_space<vmem>>) target_semaphore(%run_scoped3A_31 : memref<!tpu.dma_semaphore, #tpu.memory_space<semaphore_mem>>)
        %dma_wait3A_40 = arith.constant 0 : i32
        %dma_wait3A_41 = tpu.memref_slice %arg8[%dma_wait3A_40] : memref<32xi32, #tpu.memory_space<vmem>> -> memref<8xi32, #tpu.memory_space<vmem>>
        %dma_wait3A_42 = tpu.memref_slice %arg3[%run_scoped3A_15, %add3A_14] : memref<2x512xi32, #tpu.memory_space<hbm>> -> memref<1x8xi32, #tpu.memory_space<hbm>>
        %dma_wait3A_43 = tpu.memref_squeeze %dma_wait3A_42 : memref<1x8xi32, #tpu.memory_space<hbm>> -> memref<8xi32, #tpu.memory_space<hbm>>
        %dma_wait3A_44 = arith.constant 0 : i32
        %dma_wait3A_45 = tpu.memref_slice %arg8[%dma_wait3A_44] : memref<32xi32, #tpu.memory_space<vmem>> -> memref<8xi32, #tpu.memory_space<vmem>>
        %dma_wait3A_46 = tpu.memref_slice %arg3[%run_scoped3A_15, %add3A_14] : memref<2x512xi32, #tpu.memory_space<hbm>> -> memref<1x8xi32, #tpu.memory_space<hbm>>
        %dma_wait3A_47 = tpu.memref_squeeze %dma_wait3A_46 : memref<1x8xi32, #tpu.memory_space<hbm>> -> memref<8xi32, #tpu.memory_space<hbm>>
        tpu.wait_dma2 semaphore(%run_scoped3A_31 : memref<!tpu.dma_semaphore, #tpu.memory_space<semaphore_mem>>) src(%dma_wait3A_47 : memref<8xi32, #tpu.memory_space<hbm>>) dst(%dma_wait3A_45 : memref<8xi32, #tpu.memory_space<vmem>>)
        tpu.yield
      }) : () -> ()
      %add3A_16 = arith.constant 128 : i32
      %add3A_17 = arith.addi %add3A_16, %mul3A_2 : i32
      %run_scoped3A_18 = arith.constant 1 : i32
      "tpu.region"() ({
        %run_scoped3A_31 = tpu.sem_alloc : memref<!tpu.dma_semaphore, #tpu.memory_space<semaphore_mem>>
        %dma_start3A_32 = arith.constant 8 : i32
        %dma_start3A_33 = tpu.memref_slice %arg8[%dma_start3A_32] : memref<32xi32, #tpu.memory_space<vmem>> -> memref<8xi32, #tpu.memory_space<vmem>>
        %dma_start3A_34 = tpu.memref_slice %arg3[%run_scoped3A_18, %add3A_17] : memref<2x512xi32, #tpu.memory_space<hbm>> -> memref<1x8xi32, #tpu.memory_space<hbm>>
        %dma_start3A_35 = tpu.memref_squeeze %dma_start3A_34 : memref<1x8xi32, #tpu.memory_space<hbm>> -> memref<8xi32, #tpu.memory_space<hbm>>
        %dma_start3A_36 = arith.constant 8 : i32
        %dma_start3A_37 = tpu.memref_slice %arg8[%dma_start3A_36] : memref<32xi32, #tpu.memory_space<vmem>> -> memref<8xi32, #tpu.memory_space<vmem>>
        %dma_start3A_38 = tpu.memref_slice %arg3[%run_scoped3A_18, %add3A_17] : memref<2x512xi32, #tpu.memory_space<hbm>> -> memref<1x8xi32, #tpu.memory_space<hbm>>
        %dma_start3A_39 = tpu.memref_squeeze %dma_start3A_38 : memref<1x8xi32, #tpu.memory_space<hbm>> -> memref<8xi32, #tpu.memory_space<hbm>>
        tpu.enqueue_dma source(%dma_start3A_39 : memref<8xi32, #tpu.memory_space<hbm>>) target(%dma_start3A_37 : memref<8xi32, #tpu.memory_space<vmem>>) target_semaphore(%run_scoped3A_31 : memref<!tpu.dma_semaphore, #tpu.memory_space<semaphore_mem>>)
        %dma_wait3A_40 = arith.constant 8 : i32
        %dma_wait3A_41 = tpu.memref_slice %arg8[%dma_wait3A_40] : memref<32xi32, #tpu.memory_space<vmem>> -> memref<8xi32, #tpu.memory_space<vmem>>
        %dma_wait3A_42 = tpu.memref_slice %arg3[%run_scoped3A_18, %add3A_17] : memref<2x512xi32, #tpu.memory_space<hbm>> -> memref<1x8xi32, #tpu.memory_space<hbm>>
        %dma_wait3A_43 = tpu.memref_squeeze %dma_wait3A_42 : memref<1x8xi32, #tpu.memory_space<hbm>> -> memref<8xi32, #tpu.memory_space<hbm>>
        %dma_wait3A_44 = arith.constant 8 : i32
        %dma_wait3A_45 = tpu.memref_slice %arg8[%dma_wait3A_44] : memref<32xi32, #tpu.memory_space<vmem>> -> memref<8xi32, #tpu.memory_space<vmem>>
        %dma_wait3A_46 = tpu.memref_slice %arg3[%run_scoped3A_18, %add3A_17] : memref<2x512xi32, #tpu.memory_space<hbm>> -> memref<1x8xi32, #tpu.memory_space<hbm>>
        %dma_wait3A_47 = tpu.memref_squeeze %dma_wait3A_46 : memref<1x8xi32, #tpu.memory_space<hbm>> -> memref<8xi32, #tpu.memory_space<hbm>>
        tpu.wait_dma2 semaphore(%run_scoped3A_31 : memref<!tpu.dma_semaphore, #tpu.memory_space<semaphore_mem>>) src(%dma_wait3A_47 : memref<8xi32, #tpu.memory_space<hbm>>) dst(%dma_wait3A_45 : memref<8xi32, #tpu.memory_space<vmem>>)
        tpu.yield
      }) : () -> ()
      %add3A_19 = arith.constant 256 : i32
      %add3A_20 = arith.addi %add3A_19, %mul3A_2 : i32
      %run_scoped3A_21 = arith.constant 1 : i32
      "tpu.region"() ({
        %run_scoped3A_31 = tpu.sem_alloc : memref<!tpu.dma_semaphore, #tpu.memory_space<semaphore_mem>>
        %dma_start3A_32 = arith.constant 16 : i32
        %dma_start3A_33 = tpu.memref_slice %arg8[%dma_start3A_32] : memref<32xi32, #tpu.memory_space<vmem>> -> memref<8xi32, #tpu.memory_space<vmem>>
        %dma_start3A_34 = tpu.memref_slice %arg3[%run_scoped3A_21, %add3A_20] : memref<2x512xi32, #tpu.memory_space<hbm>> -> memref<1x8xi32, #tpu.memory_space<hbm>>
        %dma_start3A_35 = tpu.memref_squeeze %dma_start3A_34 : memref<1x8xi32, #tpu.memory_space<hbm>> -> memref<8xi32, #tpu.memory_space<hbm>>
        %dma_start3A_36 = arith.constant 16 : i32
        %dma_start3A_37 = tpu.memref_slice %arg8[%dma_start3A_36] : memref<32xi32, #tpu.memory_space<vmem>> -> memref<8xi32, #tpu.memory_space<vmem>>
        %dma_start3A_38 = tpu.memref_slice %arg3[%run_scoped3A_21, %add3A_20] : memref<2x512xi32, #tpu.memory_space<hbm>> -> memref<1x8xi32, #tpu.memory_space<hbm>>
        %dma_start3A_39 = tpu.memref_squeeze %dma_start3A_38 : memref<1x8xi32, #tpu.memory_space<hbm>> -> memref<8xi32, #tpu.memory_space<hbm>>
        tpu.enqueue_dma source(%dma_start3A_39 : memref<8xi32, #tpu.memory_space<hbm>>) target(%dma_start3A_37 : memref<8xi32, #tpu.memory_space<vmem>>) target_semaphore(%run_scoped3A_31 : memref<!tpu.dma_semaphore, #tpu.memory_space<semaphore_mem>>)
        %dma_wait3A_40 = arith.constant 16 : i32
        %dma_wait3A_41 = tpu.memref_slice %arg8[%dma_wait3A_40] : memref<32xi32, #tpu.memory_space<vmem>> -> memref<8xi32, #tpu.memory_space<vmem>>
        %dma_wait3A_42 = tpu.memref_slice %arg3[%run_scoped3A_21, %add3A_20] : memref<2x512xi32, #tpu.memory_space<hbm>> -> memref<1x8xi32, #tpu.memory_space<hbm>>
        %dma_wait3A_43 = tpu.memref_squeeze %dma_wait3A_42 : memref<1x8xi32, #tpu.memory_space<hbm>> -> memref<8xi32, #tpu.memory_space<hbm>>
        %dma_wait3A_44 = arith.constant 16 : i32
        %dma_wait3A_45 = tpu.memref_slice %arg8[%dma_wait3A_44] : memref<32xi32, #tpu.memory_space<vmem>> -> memref<8xi32, #tpu.memory_space<vmem>>
        %dma_wait3A_46 = tpu.memref_slice %arg3[%run_scoped3A_21, %add3A_20] : memref<2x512xi32, #tpu.memory_space<hbm>> -> memref<1x8xi32, #tpu.memory_space<hbm>>
        %dma_wait3A_47 = tpu.memref_squeeze %dma_wait3A_46 : memref<1x8xi32, #tpu.memory_space<hbm>> -> memref<8xi32, #tpu.memory_space<hbm>>
        tpu.wait_dma2 semaphore(%run_scoped3A_31 : memref<!tpu.dma_semaphore, #tpu.memory_space<semaphore_mem>>) src(%dma_wait3A_47 : memref<8xi32, #tpu.memory_space<hbm>>) dst(%dma_wait3A_45 : memref<8xi32, #tpu.memory_space<vmem>>)
        tpu.yield
      }) : () -> ()
      %add3A_22 = arith.constant 384 : i32
      %add3A_23 = arith.addi %add3A_22, %mul3A_2 : i32
      %run_scoped3A_24 = arith.constant 1 : i32
      "tpu.region"() ({
        %run_scoped3A_31 = tpu.sem_alloc : memref<!tpu.dma_semaphore, #tpu.memory_space<semaphore_mem>>
        %dma_start3A_32 = arith.constant 24 : i32
        %dma_start3A_33 = tpu.memref_slice %arg8[%dma_start3A_32] : memref<32xi32, #tpu.memory_space<vmem>> -> memref<8xi32, #tpu.memory_space<vmem>>
        %dma_start3A_34 = tpu.memref_slice %arg3[%run_scoped3A_24, %add3A_23] : memref<2x512xi32, #tpu.memory_space<hbm>> -> memref<1x8xi32, #tpu.memory_space<hbm>>
        %dma_start3A_35 = tpu.memref_squeeze %dma_start3A_34 : memref<1x8xi32, #tpu.memory_space<hbm>> -> memref<8xi32, #tpu.memory_space<hbm>>
        %dma_start3A_36 = arith.constant 24 : i32
        %dma_start3A_37 = tpu.memref_slice %arg8[%dma_start3A_36] : memref<32xi32, #tpu.memory_space<vmem>> -> memref<8xi32, #tpu.memory_space<vmem>>
        %dma_start3A_38 = tpu.memref_slice %arg3[%run_scoped3A_24, %add3A_23] : memref<2x512xi32, #tpu.memory_space<hbm>> -> memref<1x8xi32, #tpu.memory_space<hbm>>
        %dma_start3A_39 = tpu.memref_squeeze %dma_start3A_38 : memref<1x8xi32, #tpu.memory_space<hbm>> -> memref<8xi32, #tpu.memory_space<hbm>>
        tpu.enqueue_dma source(%dma_start3A_39 : memref<8xi32, #tpu.memory_space<hbm>>) target(%dma_start3A_37 : memref<8xi32, #tpu.memory_space<vmem>>) target_semaphore(%run_scoped3A_31 : memref<!tpu.dma_semaphore, #tpu.memory_space<semaphore_mem>>)
        %dma_wait3A_40 = arith.constant 24 : i32
        %dma_wait3A_41 = tpu.memref_slice %arg8[%dma_wait3A_40] : memref<32xi32, #tpu.memory_space<vmem>> -> memref<8xi32, #tpu.memory_space<vmem>>
        %dma_wait3A_42 = tpu.memref_slice %arg3[%run_scoped3A_24, %add3A_23] : memref<2x512xi32, #tpu.memory_space<hbm>> -> memref<1x8xi32, #tpu.memory_space<hbm>>
        %dma_wait3A_43 = tpu.memref_squeeze %dma_wait3A_42 : memref<1x8xi32, #tpu.memory_space<hbm>> -> memref<8xi32, #tpu.memory_space<hbm>>
        %dma_wait3A_44 = arith.constant 24 : i32
        %dma_wait3A_45 = tpu.memref_slice %arg8[%dma_wait3A_44] : memref<32xi32, #tpu.memory_space<vmem>> -> memref<8xi32, #tpu.memory_space<vmem>>
        %dma_wait3A_46 = tpu.memref_slice %arg3[%run_scoped3A_24, %add3A_23] : memref<2x512xi32, #tpu.memory_space<hbm>> -> memref<1x8xi32, #tpu.memory_space<hbm>>
        %dma_wait3A_47 = tpu.memref_squeeze %dma_wait3A_46 : memref<1x8xi32, #tpu.memory_space<hbm>> -> memref<8xi32, #tpu.memory_space<hbm>>
        tpu.wait_dma2 semaphore(%run_scoped3A_31 : memref<!tpu.dma_semaphore, #tpu.memory_space<semaphore_mem>>) src(%dma_wait3A_47 : memref<8xi32, #tpu.memory_space<hbm>>) dst(%dma_wait3A_45 : memref<8xi32, #tpu.memory_space<vmem>>)
        tpu.yield
      }) : () -> ()
      %dma_start3A_25 = arith.constant 0 : i32
      %dma_start3A_26 = arith.constant 0 : i32
      %dma_start3A_27 = tpu.memref_slice %arg2[%dma_start3A_25, %dma_start3A_26] : memref<4096x128xf32, #tpu.memory_space<hbm>> -> memref<4096x128xf32, #tpu.memory_space<hbm>>
      tpu.enqueue_indirect_dma source(%dma_start3A_27 : memref<4096x128xf32, #tpu.memory_space<hbm>>) target(%arg9 : memref<32x128xf32, #tpu.memory_space<vmem>>) offsets(%arg8 : memref<32xi32, #tpu.memory_space<vmem>>) semaphore(%arg10 : memref<!tpu.dma_semaphore, #tpu.memory_space<semaphore_mem>>)
      %dma_wait3A_28 = arith.constant 0 : i32
      %dma_wait3A_29 = arith.constant 0 : i32
      %dma_wait3A_30 = tpu.memref_slice %arg2[%dma_wait3A_28, %dma_wait3A_29] : memref<4096x128xf32, #tpu.memory_space<hbm>> -> memref<4096x128xf32, #tpu.memory_space<hbm>>
      tpu.wait_indirect_dma semaphore(%arg10 : memref<!tpu.dma_semaphore, #tpu.memory_space<semaphore_mem>>) src(%dma_wait3A_30 : memref<4096x128xf32, #tpu.memory_space<hbm>>) dst(%arg9 : memref<32x128xf32, #tpu.memory_space<vmem>>)
      "tpu.region"() ({
        %run_scoped3A_31 = tpu.sem_alloc : memref<!tpu.dma_semaphore, #tpu.memory_space<semaphore_mem>>
        %dma_start3A_32 = arith.constant 0 : i32
        %dma_start3A_33 = arith.constant 0 : i32
        %dma_start3A_34 = tpu.memref_slice %arg9[%dma_start3A_32, %dma_start3A_33] : memref<32x128xf32, #tpu.memory_space<vmem>> -> memref<8x128xf32, #tpu.memory_space<vmem>>
        %dma_start3A_35 = arith.constant 128 : i32
        %dma_start3A_36 = tpu.memref_slice %arg5[%mul3A_2, %dma_start3A_35] : memref<128x1024xf32, #tpu.memory_space<hbm>> -> memref<8x128xf32, #tpu.memory_space<hbm>>
        %dma_start3A_37 = arith.constant 128 : i32
        %dma_start3A_38 = tpu.memref_slice %arg5[%mul3A_2, %dma_start3A_37] : memref<128x1024xf32, #tpu.memory_space<hbm>> -> memref<8x128xf32, #tpu.memory_space<hbm>>
        %dma_start3A_39 = arith.constant 0 : i32
        %dma_start3A_40 = arith.constant 0 : i32
        %dma_start3A_41 = tpu.memref_slice %arg9[%dma_start3A_39, %dma_start3A_40] : memref<32x128xf32, #tpu.memory_space<vmem>> -> memref<8x128xf32, #tpu.memory_space<vmem>>
        tpu.enqueue_dma source(%dma_start3A_41 : memref<8x128xf32, #tpu.memory_space<vmem>>) target(%dma_start3A_38 : memref<8x128xf32, #tpu.memory_space<hbm>>) target_semaphore(%run_scoped3A_31 : memref<!tpu.dma_semaphore, #tpu.memory_space<semaphore_mem>>)
        %dma_wait3A_42 = arith.constant 0 : i32
        %dma_wait3A_43 = arith.constant 0 : i32
        %dma_wait3A_44 = tpu.memref_slice %arg9[%dma_wait3A_42, %dma_wait3A_43] : memref<32x128xf32, #tpu.memory_space<vmem>> -> memref<8x128xf32, #tpu.memory_space<vmem>>
        %dma_wait3A_45 = arith.constant 128 : i32
        %dma_wait3A_46 = tpu.memref_slice %arg5[%mul3A_2, %dma_wait3A_45] : memref<128x1024xf32, #tpu.memory_space<hbm>> -> memref<8x128xf32, #tpu.memory_space<hbm>>
        %dma_wait3A_47 = arith.constant 128 : i32
        %dma_wait3A_48 = tpu.memref_slice %arg5[%mul3A_2, %dma_wait3A_47] : memref<128x1024xf32, #tpu.memory_space<hbm>> -> memref<8x128xf32, #tpu.memory_space<hbm>>
        %dma_wait3A_49 = arith.constant 0 : i32
        %dma_wait3A_50 = arith.constant 0 : i32
        %dma_wait3A_51 = tpu.memref_slice %arg9[%dma_wait3A_49, %dma_wait3A_50] : memref<32x128xf32, #tpu.memory_space<vmem>> -> memref<8x128xf32, #tpu.memory_space<vmem>>
        tpu.wait_dma2 semaphore(%run_scoped3A_31 : memref<!tpu.dma_semaphore, #tpu.memory_space<semaphore_mem>>) src(%dma_wait3A_51 : memref<8x128xf32, #tpu.memory_space<vmem>>) dst(%dma_wait3A_48 : memref<8x128xf32, #tpu.memory_space<hbm>>)
        tpu.yield
      }) : () -> ()
      "tpu.region"() ({
        %run_scoped3A_31 = tpu.sem_alloc : memref<!tpu.dma_semaphore, #tpu.memory_space<semaphore_mem>>
        %dma_start3A_32 = arith.constant 8 : i32
        %dma_start3A_33 = arith.constant 0 : i32
        %dma_start3A_34 = tpu.memref_slice %arg9[%dma_start3A_32, %dma_start3A_33] : memref<32x128xf32, #tpu.memory_space<vmem>> -> memref<8x128xf32, #tpu.memory_space<vmem>>
        %dma_start3A_35 = arith.constant 384 : i32
        %dma_start3A_36 = tpu.memref_slice %arg5[%mul3A_2, %dma_start3A_35] : memref<128x1024xf32, #tpu.memory_space<hbm>> -> memref<8x128xf32, #tpu.memory_space<hbm>>
        %dma_start3A_37 = arith.constant 384 : i32
        %dma_start3A_38 = tpu.memref_slice %arg5[%mul3A_2, %dma_start3A_37] : memref<128x1024xf32, #tpu.memory_space<hbm>> -> memref<8x128xf32, #tpu.memory_space<hbm>>
        %dma_start3A_39 = arith.constant 8 : i32
        %dma_start3A_40 = arith.constant 0 : i32
        %dma_start3A_41 = tpu.memref_slice %arg9[%dma_start3A_39, %dma_start3A_40] : memref<32x128xf32, #tpu.memory_space<vmem>> -> memref<8x128xf32, #tpu.memory_space<vmem>>
        tpu.enqueue_dma source(%dma_start3A_41 : memref<8x128xf32, #tpu.memory_space<vmem>>) target(%dma_start3A_38 : memref<8x128xf32, #tpu.memory_space<hbm>>) target_semaphore(%run_scoped3A_31 : memref<!tpu.dma_semaphore, #tpu.memory_space<semaphore_mem>>)
        %dma_wait3A_42 = arith.constant 8 : i32
        %dma_wait3A_43 = arith.constant 0 : i32
        %dma_wait3A_44 = tpu.memref_slice %arg9[%dma_wait3A_42, %dma_wait3A_43] : memref<32x128xf32, #tpu.memory_space<vmem>> -> memref<8x128xf32, #tpu.memory_space<vmem>>
        %dma_wait3A_45 = arith.constant 384 : i32
        %dma_wait3A_46 = tpu.memref_slice %arg5[%mul3A_2, %dma_wait3A_45] : memref<128x1024xf32, #tpu.memory_space<hbm>> -> memref<8x128xf32, #tpu.memory_space<hbm>>
        %dma_wait3A_47 = arith.constant 384 : i32
        %dma_wait3A_48 = tpu.memref_slice %arg5[%mul3A_2, %dma_wait3A_47] : memref<128x1024xf32, #tpu.memory_space<hbm>> -> memref<8x128xf32, #tpu.memory_space<hbm>>
        %dma_wait3A_49 = arith.constant 8 : i32
        %dma_wait3A_50 = arith.constant 0 : i32
        %dma_wait3A_51 = tpu.memref_slice %arg9[%dma_wait3A_49, %dma_wait3A_50] : memref<32x128xf32, #tpu.memory_space<vmem>> -> memref<8x128xf32, #tpu.memory_space<vmem>>
        tpu.wait_dma2 semaphore(%run_scoped3A_31 : memref<!tpu.dma_semaphore, #tpu.memory_space<semaphore_mem>>) src(%dma_wait3A_51 : memref<8x128xf32, #tpu.memory_space<vmem>>) dst(%dma_wait3A_48 : memref<8x128xf32, #tpu.memory_space<hbm>>)
        tpu.yield
      }) : () -> ()
      "tpu.region"() ({
        %run_scoped3A_31 = tpu.sem_alloc : memref<!tpu.dma_semaphore, #tpu.memory_space<semaphore_mem>>
        %dma_start3A_32 = arith.constant 16 : i32
        %dma_start3A_33 = arith.constant 0 : i32
        %dma_start3A_34 = tpu.memref_slice %arg9[%dma_start3A_32, %dma_start3A_33] : memref<32x128xf32, #tpu.memory_space<vmem>> -> memref<8x128xf32, #tpu.memory_space<vmem>>
        %dma_start3A_35 = arith.constant 640 : i32
        %dma_start3A_36 = tpu.memref_slice %arg5[%mul3A_2, %dma_start3A_35] : memref<128x1024xf32, #tpu.memory_space<hbm>> -> memref<8x128xf32, #tpu.memory_space<hbm>>
        %dma_start3A_37 = arith.constant 640 : i32
        %dma_start3A_38 = tpu.memref_slice %arg5[%mul3A_2, %dma_start3A_37] : memref<128x1024xf32, #tpu.memory_space<hbm>> -> memref<8x128xf32, #tpu.memory_space<hbm>>
        %dma_start3A_39 = arith.constant 16 : i32
        %dma_start3A_40 = arith.constant 0 : i32
        %dma_start3A_41 = tpu.memref_slice %arg9[%dma_start3A_39, %dma_start3A_40] : memref<32x128xf32, #tpu.memory_space<vmem>> -> memref<8x128xf32, #tpu.memory_space<vmem>>
        tpu.enqueue_dma source(%dma_start3A_41 : memref<8x128xf32, #tpu.memory_space<vmem>>) target(%dma_start3A_38 : memref<8x128xf32, #tpu.memory_space<hbm>>) target_semaphore(%run_scoped3A_31 : memref<!tpu.dma_semaphore, #tpu.memory_space<semaphore_mem>>)
        %dma_wait3A_42 = arith.constant 16 : i32
        %dma_wait3A_43 = arith.constant 0 : i32
        %dma_wait3A_44 = tpu.memref_slice %arg9[%dma_wait3A_42, %dma_wait3A_43] : memref<32x128xf32, #tpu.memory_space<vmem>> -> memref<8x128xf32, #tpu.memory_space<vmem>>
        %dma_wait3A_45 = arith.constant 640 : i32
        %dma_wait3A_46 = tpu.memref_slice %arg5[%mul3A_2, %dma_wait3A_45] : memref<128x1024xf32, #tpu.memory_space<hbm>> -> memref<8x128xf32, #tpu.memory_space<hbm>>
        %dma_wait3A_47 = arith.constant 640 : i32
        %dma_wait3A_48 = tpu.memref_slice %arg5[%mul3A_2, %dma_wait3A_47] : memref<128x1024xf32, #tpu.memory_space<hbm>> -> memref<8x128xf32, #tpu.memory_space<hbm>>
        %dma_wait3A_49 = arith.constant 16 : i32
        %dma_wait3A_50 = arith.constant 0 : i32
        %dma_wait3A_51 = tpu.memref_slice %arg9[%dma_wait3A_49, %dma_wait3A_50] : memref<32x128xf32, #tpu.memory_space<vmem>> -> memref<8x128xf32, #tpu.memory_space<vmem>>
        tpu.wait_dma2 semaphore(%run_scoped3A_31 : memref<!tpu.dma_semaphore, #tpu.memory_space<semaphore_mem>>) src(%dma_wait3A_51 : memref<8x128xf32, #tpu.memory_space<vmem>>) dst(%dma_wait3A_48 : memref<8x128xf32, #tpu.memory_space<hbm>>)
        tpu.yield
      }) : () -> ()
      "tpu.region"() ({
        %run_scoped3A_31 = tpu.sem_alloc : memref<!tpu.dma_semaphore, #tpu.memory_space<semaphore_mem>>
        %dma_start3A_32 = arith.constant 24 : i32
        %dma_start3A_33 = arith.constant 0 : i32
        %dma_start3A_34 = tpu.memref_slice %arg9[%dma_start3A_32, %dma_start3A_33] : memref<32x128xf32, #tpu.memory_space<vmem>> -> memref<8x128xf32, #tpu.memory_space<vmem>>
        %dma_start3A_35 = arith.constant 896 : i32
        %dma_start3A_36 = tpu.memref_slice %arg5[%mul3A_2, %dma_start3A_35] : memref<128x1024xf32, #tpu.memory_space<hbm>> -> memref<8x128xf32, #tpu.memory_space<hbm>>
        %dma_start3A_37 = arith.constant 896 : i32
        %dma_start3A_38 = tpu.memref_slice %arg5[%mul3A_2, %dma_start3A_37] : memref<128x1024xf32, #tpu.memory_space<hbm>> -> memref<8x128xf32, #tpu.memory_space<hbm>>
        %dma_start3A_39 = arith.constant 24 : i32
        %dma_start3A_40 = arith.constant 0 : i32
        %dma_start3A_41 = tpu.memref_slice %arg9[%dma_start3A_39, %dma_start3A_40] : memref<32x128xf32, #tpu.memory_space<vmem>> -> memref<8x128xf32, #tpu.memory_space<vmem>>
        tpu.enqueue_dma source(%dma_start3A_41 : memref<8x128xf32, #tpu.memory_space<vmem>>) target(%dma_start3A_38 : memref<8x128xf32, #tpu.memory_space<hbm>>) target_semaphore(%run_scoped3A_31 : memref<!tpu.dma_semaphore, #tpu.memory_space<semaphore_mem>>)
        %dma_wait3A_42 = arith.constant 24 : i32
        %dma_wait3A_43 = arith.constant 0 : i32
        %dma_wait3A_44 = tpu.memref_slice %arg9[%dma_wait3A_42, %dma_wait3A_43] : memref<32x128xf32, #tpu.memory_space<vmem>> -> memref<8x128xf32, #tpu.memory_space<vmem>>
        %dma_wait3A_45 = arith.constant 896 : i32
        %dma_wait3A_46 = tpu.memref_slice %arg5[%mul3A_2, %dma_wait3A_45] : memref<128x1024xf32, #tpu.memory_space<hbm>> -> memref<8x128xf32, #tpu.memory_space<hbm>>
        %dma_wait3A_47 = arith.constant 896 : i32
        %dma_wait3A_48 = tpu.memref_slice %arg5[%mul3A_2, %dma_wait3A_47] : memref<128x1024xf32, #tpu.memory_space<hbm>> -> memref<8x128xf32, #tpu.memory_space<hbm>>
        %dma_wait3A_49 = arith.constant 24 : i32
        %dma_wait3A_50 = arith.constant 0 : i32
        %dma_wait3A_51 = tpu.memref_slice %arg9[%dma_wait3A_49, %dma_wait3A_50] : memref<32x128xf32, #tpu.memory_space<vmem>> -> memref<8x128xf32, #tpu.memory_space<vmem>>
        tpu.wait_dma2 semaphore(%run_scoped3A_31 : memref<!tpu.dma_semaphore, #tpu.memory_space<semaphore_mem>>) src(%dma_wait3A_51 : memref<8x128xf32, #tpu.memory_space<vmem>>) dst(%dma_wait3A_48 : memref<8x128xf32, #tpu.memory_space<hbm>>)
        tpu.yield
      }) : () -> ()
    } else {
    }
    return
  }
}

module attributes {stable_mosaic.version = 14 : i64} {
  func.func @_pair_ffnn_body(%arg0: i32, %arg1: i32, %arg2: memref<128x256xf32, #tpu.memory_space<vmem>>, %arg3: memref<128x1024xf32, #tpu.memory_space<vmem>>, %arg4: memref<512x64xf32, #tpu.memory_space<vmem>>, %arg5: memref<1x64xf32, #tpu.memory_space<vmem>>, %arg6: memref<64x32xf32, #tpu.memory_space<vmem>>, %arg7: memref<1x32xf32, #tpu.memory_space<vmem>>, %arg8: memref<128x128x128xf32, #tpu.memory_space<vmem>>, %arg9: memref<256x256xf32, #tpu.memory_space<vmem>>, %arg10: memref<1024x256xf32, #tpu.memory_space<vmem>>, %arg11: memref<1x256xf32, #tpu.memory_space<vmem>>, %arg12: memref<256x128xf32, #tpu.memory_space<vmem>>, %arg13: memref<1x128xf32, #tpu.memory_space<vmem>>) attributes {dimension_semantics = [#tpu.dimension_semantics<arbitrary>, #tpu.dimension_semantics<arbitrary>], iteration_bounds = array<i64: 4, 1>, scalar_prefetch = 0 : i64, scratch_operands = 5 : i64, tpu.core_type = #tpu.core_type<tc>, window_params = [{transform_indices = @transform_0, window_bounds = array<i64: 128, 256>}, {pipeline_mode = #tpu.pipeline_mode<synchronous>, transform_indices = @transform_1, window_bounds = array<i64: 128, 1024>}, {pipeline_mode = #tpu.pipeline_mode<synchronous>, transform_indices = @transform_2, window_bounds = array<i64: 512, 64>}, {pipeline_mode = #tpu.pipeline_mode<synchronous>, transform_indices = @transform_3, window_bounds = array<i64: 1, 64>}, {pipeline_mode = #tpu.pipeline_mode<synchronous>, transform_indices = @transform_4, window_bounds = array<i64: 64, 32>}, {pipeline_mode = #tpu.pipeline_mode<synchronous>, transform_indices = @transform_5, window_bounds = array<i64: 1, 32>}, {transform_indices = @transform_6, window_bounds = array<i64: 128, 128, 128>}]} {
    %eq3A = arith.constant 0 : i32
    %eq3A_0 = arith.cmpi eq, %arg0, %eq3A : i32
    %convert_element_type3A = arith.extui %eq3A_0 : i1 to i32
    %cond3A = arith.constant 0 : i32
    %cond3A_1 = arith.cmpi ne, %convert_element_type3A, %cond3A : i32
    scf.if %cond3A_1 {
      %get3A_66 = arith.constant 0 : index
      %get3A_67 = arith.constant 0 : index
      %get3A_68 = vector.load %arg4[%get3A_66, %get3A_67] : memref<512x64xf32, #tpu.memory_space<vmem>>, vector<512x64xf32>
      %slice3A_69 = vector.extract_strided_slice %get3A_68 {offsets = [0, 0], sizes = [256, 64], strides = [1, 1]} : vector<512x64xf32> to vector<256x64xf32>
      %slice3A_70 = vector.extract_strided_slice %get3A_68 {offsets = [256, 0], sizes = [256, 64], strides = [1, 1]} : vector<512x64xf32> to vector<256x64xf32>
      %concatenate3A = tpu.concatenate %slice3A_69, %slice3A_69, %slice3A_69, %slice3A_69 in 1 : vector<256x64xf32>, vector<256x64xf32>, vector<256x64xf32>, vector<256x64xf32> -> vector<256x256xf32>
      %swap3A_71 = arith.constant 0 : index
      %swap3A_72 = arith.constant 0 : index
      %swap3A_73 = vector.load %arg9[%swap3A_71, %swap3A_72] : memref<256x256xf32, #tpu.memory_space<vmem>>, vector<256x256xf32>
      tpu.vector_store %arg9[%swap3A_71, %swap3A_72], %concatenate3A {strides = array<i32>} : memref<256x256xf32, #tpu.memory_space<vmem>>, vector<256x256xf32>,
      %broadcast_in_dim3A_74 = arith.constant 0.000000e+00 : f32
      %broadcast_in_dim3A_75 = vector.broadcast %broadcast_in_dim3A_74 : f32 to vector<256x64xf32>
      %concatenate3A_76 = tpu.concatenate %slice3A_70, %broadcast_in_dim3A_75, %broadcast_in_dim3A_75, %broadcast_in_dim3A_75 in 1 : vector<256x64xf32>, vector<256x64xf32>, vector<256x64xf32>, vector<256x64xf32> -> vector<256x256xf32>
      %swap3A_77 = arith.constant 0 : index
      %swap3A_78 = arith.constant 0 : index
      %swap3A_79 = vector.load %arg10[%swap3A_77, %swap3A_78] : memref<1024x256xf32, #tpu.memory_space<vmem>>, vector<256x256xf32>
      tpu.vector_store %arg10[%swap3A_77, %swap3A_78], %concatenate3A_76 {strides = array<i32>} : memref<1024x256xf32, #tpu.memory_space<vmem>>, vector<256x256xf32>,
      %concatenate3A_80 = tpu.concatenate %broadcast_in_dim3A_75, %slice3A_70, %broadcast_in_dim3A_75, %broadcast_in_dim3A_75 in 1 : vector<256x64xf32>, vector<256x64xf32>, vector<256x64xf32>, vector<256x64xf32> -> vector<256x256xf32>
      %swap3A_81 = arith.constant 256 : index
      %swap3A_82 = arith.constant 0 : index
      %swap3A_83 = vector.load %arg10[%swap3A_81, %swap3A_82] : memref<1024x256xf32, #tpu.memory_space<vmem>>, vector<256x256xf32>
      tpu.vector_store %arg10[%swap3A_81, %swap3A_82], %concatenate3A_80 {strides = array<i32>} : memref<1024x256xf32, #tpu.memory_space<vmem>>, vector<256x256xf32>,
      %concatenate3A_84 = tpu.concatenate %broadcast_in_dim3A_75, %broadcast_in_dim3A_75, %slice3A_70, %broadcast_in_dim3A_75 in 1 : vector<256x64xf32>, vector<256x64xf32>, vector<256x64xf32>, vector<256x64xf32> -> vector<256x256xf32>
      %swap3A_85 = arith.constant 512 : index
      %swap3A_86 = arith.constant 0 : index
      %swap3A_87 = vector.load %arg10[%swap3A_85, %swap3A_86] : memref<1024x256xf32, #tpu.memory_space<vmem>>, vector<256x256xf32>
      tpu.vector_store %arg10[%swap3A_85, %swap3A_86], %concatenate3A_84 {strides = array<i32>} : memref<1024x256xf32, #tpu.memory_space<vmem>>, vector<256x256xf32>,
      %concatenate3A_88 = tpu.concatenate %broadcast_in_dim3A_75, %broadcast_in_dim3A_75, %broadcast_in_dim3A_75, %slice3A_70 in 1 : vector<256x64xf32>, vector<256x64xf32>, vector<256x64xf32>, vector<256x64xf32> -> vector<256x256xf32>
      %swap3A_89 = arith.constant 768 : index
      %swap3A_90 = arith.constant 0 : index
      %swap3A_91 = vector.load %arg10[%swap3A_89, %swap3A_90] : memref<1024x256xf32, #tpu.memory_space<vmem>>, vector<256x256xf32>
      tpu.vector_store %arg10[%swap3A_89, %swap3A_90], %concatenate3A_88 {strides = array<i32>} : memref<1024x256xf32, #tpu.memory_space<vmem>>, vector<256x256xf32>,
      %get3A_92 = arith.constant 0 : index
      %get3A_93 = arith.constant 0 : index
      %get3A_94 = vector.load %arg5[%get3A_92, %get3A_93] : memref<1x64xf32, #tpu.memory_space<vmem>>, vector<1x64xf32>
      %concatenate3A_95 = tpu.concatenate %get3A_94, %get3A_94, %get3A_94, %get3A_94 in 1 : vector<1x64xf32>, vector<1x64xf32>, vector<1x64xf32>, vector<1x64xf32> -> vector<1x256xf32>
      %swap3A_96 = arith.constant 0 : index
      %swap3A_97 = arith.constant 0 : index
      %swap3A_98 = vector.load %arg11[%swap3A_96, %swap3A_97] : memref<1x256xf32, #tpu.memory_space<vmem>>, vector<1x256xf32>
      tpu.vector_store %arg11[%swap3A_96, %swap3A_97], %concatenate3A_95 {strides = array<i32>} : memref<1x256xf32, #tpu.memory_space<vmem>>, vector<1x256xf32>,
      %get3A_99 = arith.constant 0 : index
      %get3A_100 = arith.constant 0 : index
      %get3A_101 = vector.load %arg6[%get3A_99, %get3A_100] : memref<64x32xf32, #tpu.memory_space<vmem>>, vector<64x32xf32>
      %broadcast_in_dim3A_102 = arith.constant 0.000000e+00 : f32
      %broadcast_in_dim3A_103 = vector.broadcast %broadcast_in_dim3A_102 : f32 to vector<64x8xf32>
      %slice3A_104 = vector.extract_strided_slice %get3A_101 {offsets = [0, 0], sizes = [64, 8], strides = [1, 1]} : vector<64x32xf32> to vector<64x8xf32>
      %slice3A_105 = vector.extract_strided_slice %get3A_101 {offsets = [0, 8], sizes = [64, 8], strides = [1, 1]} : vector<64x32xf32> to vector<64x8xf32>
      %slice3A_106 = vector.extract_strided_slice %get3A_101 {offsets = [0, 16], sizes = [64, 8], strides = [1, 1]} : vector<64x32xf32> to vector<64x8xf32>
      %slice3A_107 = vector.extract_strided_slice %get3A_101 {offsets = [0, 24], sizes = [64, 8], strides = [1, 1]} : vector<64x32xf32> to vector<64x8xf32>
      %concatenate3A_108 = tpu.concatenate %slice3A_104, %broadcast_in_dim3A_103, %broadcast_in_dim3A_103, %broadcast_in_dim3A_103, %slice3A_105, %broadcast_in_dim3A_103, %broadcast_in_dim3A_103, %broadcast_in_dim3A_103, %slice3A_106, %broadcast_in_dim3A_103, %broadcast_in_dim3A_103, %broadcast_in_dim3A_103, %slice3A_107, %broadcast_in_dim3A_103, %broadcast_in_dim3A_103, %broadcast_in_dim3A_103 in 1 : vector<64x8xf32>, vector<64x8xf32>, vector<64x8xf32>, vector<64x8xf32>, vector<64x8xf32>, vector<64x8xf32>, vector<64x8xf32>, vector<64x8xf32>, vector<64x8xf32>, vector<64x8xf32>, vector<64x8xf32>, vector<64x8xf32>, vector<64x8xf32>, vector<64x8xf32>, vector<64x8xf32>, vector<64x8xf32> -> vector<64x128xf32>
      %swap3A_109 = arith.constant 0 : index
      %swap3A_110 = arith.constant 0 : index
      %swap3A_111 = vector.load %arg12[%swap3A_109, %swap3A_110] : memref<256x128xf32, #tpu.memory_space<vmem>>, vector<64x128xf32>
      tpu.vector_store %arg12[%swap3A_109, %swap3A_110], %concatenate3A_108 {strides = array<i32>} : memref<256x128xf32, #tpu.memory_space<vmem>>, vector<64x128xf32>,
      %slice3A_112 = vector.extract_strided_slice %get3A_101 {offsets = [0, 0], sizes = [64, 8], strides = [1, 1]} : vector<64x32xf32> to vector<64x8xf32>
      %slice3A_113 = vector.extract_strided_slice %get3A_101 {offsets = [0, 8], sizes = [64, 8], strides = [1, 1]} : vector<64x32xf32> to vector<64x8xf32>
      %slice3A_114 = vector.extract_strided_slice %get3A_101 {offsets = [0, 16], sizes = [64, 8], strides = [1, 1]} : vector<64x32xf32> to vector<64x8xf32>
      %slice3A_115 = vector.extract_strided_slice %get3A_101 {offsets = [0, 24], sizes = [64, 8], strides = [1, 1]} : vector<64x32xf32> to vector<64x8xf32>
      %concatenate3A_116 = tpu.concatenate %broadcast_in_dim3A_103, %slice3A_112, %broadcast_in_dim3A_103, %broadcast_in_dim3A_103, %broadcast_in_dim3A_103, %slice3A_113, %broadcast_in_dim3A_103, %broadcast_in_dim3A_103, %broadcast_in_dim3A_103, %slice3A_114, %broadcast_in_dim3A_103, %broadcast_in_dim3A_103, %broadcast_in_dim3A_103, %slice3A_115, %broadcast_in_dim3A_103, %broadcast_in_dim3A_103 in 1 : vector<64x8xf32>, vector<64x8xf32>, vector<64x8xf32>, vector<64x8xf32>, vector<64x8xf32>, vector<64x8xf32>, vector<64x8xf32>, vector<64x8xf32>, vector<64x8xf32>, vector<64x8xf32>, vector<64x8xf32>, vector<64x8xf32>, vector<64x8xf32>, vector<64x8xf32>, vector<64x8xf32>, vector<64x8xf32> -> vector<64x128xf32>
      %swap3A_117 = arith.constant 64 : index
      %swap3A_118 = arith.constant 0 : index
      %swap3A_119 = vector.load %arg12[%swap3A_117, %swap3A_118] : memref<256x128xf32, #tpu.memory_space<vmem>>, vector<64x128xf32>
      tpu.vector_store %arg12[%swap3A_117, %swap3A_118], %concatenate3A_116 {strides = array<i32>} : memref<256x128xf32, #tpu.memory_space<vmem>>, vector<64x128xf32>,
      %slice3A_120 = vector.extract_strided_slice %get3A_101 {offsets = [0, 0], sizes = [64, 8], strides = [1, 1]} : vector<64x32xf32> to vector<64x8xf32>
      %slice3A_121 = vector.extract_strided_slice %get3A_101 {offsets = [0, 8], sizes = [64, 8], strides = [1, 1]} : vector<64x32xf32> to vector<64x8xf32>
      %slice3A_122 = vector.extract_strided_slice %get3A_101 {offsets = [0, 16], sizes = [64, 8], strides = [1, 1]} : vector<64x32xf32> to vector<64x8xf32>
      %slice3A_123 = vector.extract_strided_slice %get3A_101 {offsets = [0, 24], sizes = [64, 8], strides = [1, 1]} : vector<64x32xf32> to vector<64x8xf32>
      %concatenate3A_124 = tpu.concatenate %broadcast_in_dim3A_103, %broadcast_in_dim3A_103, %slice3A_120, %broadcast_in_dim3A_103, %broadcast_in_dim3A_103, %broadcast_in_dim3A_103, %slice3A_121, %broadcast_in_dim3A_103, %broadcast_in_dim3A_103, %broadcast_in_dim3A_103, %slice3A_122, %broadcast_in_dim3A_103, %broadcast_in_dim3A_103, %broadcast_in_dim3A_103, %slice3A_123, %broadcast_in_dim3A_103 in 1 : vector<64x8xf32>, vector<64x8xf32>, vector<64x8xf32>, vector<64x8xf32>, vector<64x8xf32>, vector<64x8xf32>, vector<64x8xf32>, vector<64x8xf32>, vector<64x8xf32>, vector<64x8xf32>, vector<64x8xf32>, vector<64x8xf32>, vector<64x8xf32>, vector<64x8xf32>, vector<64x8xf32>, vector<64x8xf32> -> vector<64x128xf32>
      %swap3A_125 = arith.constant 128 : index
      %swap3A_126 = arith.constant 0 : index
      %swap3A_127 = vector.load %arg12[%swap3A_125, %swap3A_126] : memref<256x128xf32, #tpu.memory_space<vmem>>, vector<64x128xf32>
      tpu.vector_store %arg12[%swap3A_125, %swap3A_126], %concatenate3A_124 {strides = array<i32>} : memref<256x128xf32, #tpu.memory_space<vmem>>, vector<64x128xf32>,
      %slice3A_128 = vector.extract_strided_slice %get3A_101 {offsets = [0, 0], sizes = [64, 8], strides = [1, 1]} : vector<64x32xf32> to vector<64x8xf32>
      %slice3A_129 = vector.extract_strided_slice %get3A_101 {offsets = [0, 8], sizes = [64, 8], strides = [1, 1]} : vector<64x32xf32> to vector<64x8xf32>
      %slice3A_130 = vector.extract_strided_slice %get3A_101 {offsets = [0, 16], sizes = [64, 8], strides = [1, 1]} : vector<64x32xf32> to vector<64x8xf32>
      %slice3A_131 = vector.extract_strided_slice %get3A_101 {offsets = [0, 24], sizes = [64, 8], strides = [1, 1]} : vector<64x32xf32> to vector<64x8xf32>
      %concatenate3A_132 = tpu.concatenate %broadcast_in_dim3A_103, %broadcast_in_dim3A_103, %broadcast_in_dim3A_103, %slice3A_128, %broadcast_in_dim3A_103, %broadcast_in_dim3A_103, %broadcast_in_dim3A_103, %slice3A_129, %broadcast_in_dim3A_103, %broadcast_in_dim3A_103, %broadcast_in_dim3A_103, %slice3A_130, %broadcast_in_dim3A_103, %broadcast_in_dim3A_103, %broadcast_in_dim3A_103, %slice3A_131 in 1 : vector<64x8xf32>, vector<64x8xf32>, vector<64x8xf32>, vector<64x8xf32>, vector<64x8xf32>, vector<64x8xf32>, vector<64x8xf32>, vector<64x8xf32>, vector<64x8xf32>, vector<64x8xf32>, vector<64x8xf32>, vector<64x8xf32>, vector<64x8xf32>, vector<64x8xf32>, vector<64x8xf32>, vector<64x8xf32> -> vector<64x128xf32>
      %swap3A_133 = arith.constant 192 : index
      %swap3A_134 = arith.constant 0 : index
      %swap3A_135 = vector.load %arg12[%swap3A_133, %swap3A_134] : memref<256x128xf32, #tpu.memory_space<vmem>>, vector<64x128xf32>
      tpu.vector_store %arg12[%swap3A_133, %swap3A_134], %concatenate3A_132 {strides = array<i32>} : memref<256x128xf32, #tpu.memory_space<vmem>>, vector<64x128xf32>,
      %get3A_136 = arith.constant 0 : index
      %get3A_137 = arith.constant 0 : index
      %get3A_138 = vector.load %arg7[%get3A_136, %get3A_137] : memref<1x32xf32, #tpu.memory_space<vmem>>, vector<1x32xf32>
      %slice3A_139 = vector.extract_strided_slice %get3A_138 {offsets = [0, 0], sizes = [1, 8], strides = [1, 1]} : vector<1x32xf32> to vector<1x8xf32>
      %slice3A_140 = vector.extract_strided_slice %get3A_138 {offsets = [0, 0], sizes = [1, 8], strides = [1, 1]} : vector<1x32xf32> to vector<1x8xf32>
      %slice3A_141 = vector.extract_strided_slice %get3A_138 {offsets = [0, 0], sizes = [1, 8], strides = [1, 1]} : vector<1x32xf32> to vector<1x8xf32>
      %slice3A_142 = vector.extract_strided_slice %get3A_138 {offsets = [0, 0], sizes = [1, 8], strides = [1, 1]} : vector<1x32xf32> to vector<1x8xf32>
      %slice3A_143 = vector.extract_strided_slice %get3A_138 {offsets = [0, 8], sizes = [1, 8], strides = [1, 1]} : vector<1x32xf32> to vector<1x8xf32>
      %slice3A_144 = vector.extract_strided_slice %get3A_138 {offsets = [0, 8], sizes = [1, 8], strides = [1, 1]} : vector<1x32xf32> to vector<1x8xf32>
      %slice3A_145 = vector.extract_strided_slice %get3A_138 {offsets = [0, 8], sizes = [1, 8], strides = [1, 1]} : vector<1x32xf32> to vector<1x8xf32>
      %slice3A_146 = vector.extract_strided_slice %get3A_138 {offsets = [0, 8], sizes = [1, 8], strides = [1, 1]} : vector<1x32xf32> to vector<1x8xf32>
      %slice3A_147 = vector.extract_strided_slice %get3A_138 {offsets = [0, 16], sizes = [1, 8], strides = [1, 1]} : vector<1x32xf32> to vector<1x8xf32>
      %slice3A_148 = vector.extract_strided_slice %get3A_138 {offsets = [0, 16], sizes = [1, 8], strides = [1, 1]} : vector<1x32xf32> to vector<1x8xf32>
      %slice3A_149 = vector.extract_strided_slice %get3A_138 {offsets = [0, 16], sizes = [1, 8], strides = [1, 1]} : vector<1x32xf32> to vector<1x8xf32>
      %slice3A_150 = vector.extract_strided_slice %get3A_138 {offsets = [0, 16], sizes = [1, 8], strides = [1, 1]} : vector<1x32xf32> to vector<1x8xf32>
      %slice3A_151 = vector.extract_strided_slice %get3A_138 {offsets = [0, 24], sizes = [1, 8], strides = [1, 1]} : vector<1x32xf32> to vector<1x8xf32>
      %slice3A_152 = vector.extract_strided_slice %get3A_138 {offsets = [0, 24], sizes = [1, 8], strides = [1, 1]} : vector<1x32xf32> to vector<1x8xf32>
      %slice3A_153 = vector.extract_strided_slice %get3A_138 {offsets = [0, 24], sizes = [1, 8], strides = [1, 1]} : vector<1x32xf32> to vector<1x8xf32>
      %slice3A_154 = vector.extract_strided_slice %get3A_138 {offsets = [0, 24], sizes = [1, 8], strides = [1, 1]} : vector<1x32xf32> to vector<1x8xf32>
      %concatenate3A_155 = tpu.concatenate %slice3A_139, %slice3A_140, %slice3A_141, %slice3A_142, %slice3A_143, %slice3A_144, %slice3A_145, %slice3A_146, %slice3A_147, %slice3A_148, %slice3A_149, %slice3A_150, %slice3A_151, %slice3A_152, %slice3A_153, %slice3A_154 in 1 : vector<1x8xf32>, vector<1x8xf32>, vector<1x8xf32>, vector<1x8xf32>, vector<1x8xf32>, vector<1x8xf32>, vector<1x8xf32>, vector<1x8xf32>, vector<1x8xf32>, vector<1x8xf32>, vector<1x8xf32>, vector<1x8xf32>, vector<1x8xf32>, vector<1x8xf32>, vector<1x8xf32>, vector<1x8xf32> -> vector<1x128xf32>
      %swap3A_156 = arith.constant 0 : index
      %swap3A_157 = arith.constant 0 : index
      %swap3A_158 = vector.load %arg13[%swap3A_156, %swap3A_157] : memref<1x128xf32, #tpu.memory_space<vmem>>, vector<1x128xf32>
      tpu.vector_store %arg13[%swap3A_156, %swap3A_157], %concatenate3A_155 {strides = array<i32>} : memref<1x128xf32, #tpu.memory_space<vmem>>, vector<1x128xf32>,
    } else {
    }
    %get3A = arith.constant 0 : index
    %get3A_2 = arith.constant 0 : index
    %get3A_3 = vector.load %arg2[%get3A, %get3A_2] : memref<128x256xf32, #tpu.memory_space<vmem>>, vector<128x256xf32>
    %get3A_4 = arith.constant 0 : index
    %get3A_5 = arith.constant 0 : index
    %get3A_6 = vector.load %arg9[%get3A_4, %get3A_5] : memref<256x256xf32, #tpu.memory_space<vmem>>, vector<256x256xf32>
    %dot_general3A = arith.constant dense<0.000000e+00> : vector<128x256xf32>
    %dot_general3A_7 = tpu.matmul %get3A_3, %get3A_6, %dot_general3A {dimension_numbers = #tpu.dot_dimension_numbers<[1], [0], [0], [1], [0, 0, 1, 1], [], []>, transpose_lhs_hint = false} : vector<128x256xf32>, vector<256x256xf32>, vector<128x256xf32> -> vector<128x256xf32>
    %get3A_8 = arith.constant 0 : index
    %get3A_9 = arith.constant 0 : index
    %get3A_10 = vector.load %arg11[%get3A_8, %get3A_9] : memref<1x256xf32, #tpu.memory_space<vmem>>, vector<1x256xf32>
    %add3A = vector.broadcast %get3A_10 : vector<1x256xf32> to vector<128x256xf32>
    %add3A_11 = arith.addf %dot_general3A_7, %add3A : vector<128x256xf32>
    %get3A_12 = arith.constant 0 : index
    %get3A_13 = arith.constant 0 : index
    %get3A_14 = vector.load %arg3[%get3A_12, %get3A_13] : memref<128x1024xf32, #tpu.memory_space<vmem>>, vector<128x1024xf32>
    %get3A_15 = arith.constant 0 : index
    %get3A_16 = arith.constant 0 : index
    %get3A_17 = vector.load %arg10[%get3A_15, %get3A_16] : memref<1024x256xf32, #tpu.memory_space<vmem>>, vector<1024x256xf32>
    %dot_general3A_18 = arith.constant dense<0.000000e+00> : vector<128x256xf32>
    %dot_general3A_19 = tpu.matmul %get3A_14, %get3A_17, %dot_general3A_18 {dimension_numbers = #tpu.dot_dimension_numbers<[1], [0], [0], [1], [0, 0, 1, 1], [], []>, transpose_lhs_hint = false} : vector<128x1024xf32>, vector<1024x256xf32>, vector<128x256xf32> -> vector<128x256xf32>
    %slice3A = vector.extract_strided_slice %add3A_11 {offsets = [0, 0], sizes = [64, 256], strides = [1, 1]} : vector<128x256xf32> to vector<64x256xf32>
    %broadcast_in_dim3A = vector.shape_cast %slice3A : vector<64x256xf32> to vector<64x1x256xf32>
    %broadcast_in_dim3A_20 = vector.shape_cast %dot_general3A_19 : vector<128x256xf32> to vector<1x128x256xf32>
    %add3A_21 = vector.broadcast %broadcast_in_dim3A : vector<64x1x256xf32> to vector<64x128x256xf32>
    %add3A_22 = vector.broadcast %broadcast_in_dim3A_20 : vector<1x128x256xf32> to vector<64x128x256xf32>
    %add3A_23 = arith.addf %add3A_21, %add3A_22 : vector<64x128x256xf32>
    %max3A = arith.constant 0.000000e+00 : f32
    %max3A_24 = vector.broadcast %max3A : f32 to vector<64x128x256xf32>
    %max3A_25 = arith.maximumf %add3A_23, %max3A_24 : vector<64x128x256xf32>
    %reshape3A = vector.shape_cast %max3A_25 : vector<64x128x256xf32> to vector<8192x256xf32>
    %get3A_26 = arith.constant 0 : index
    %get3A_27 = arith.constant 0 : index
    %get3A_28 = vector.load %arg12[%get3A_26, %get3A_27] : memref<256x128xf32, #tpu.memory_space<vmem>>, vector<256x128xf32>
    %dot_general3A_29 = arith.constant dense<0.000000e+00> : vector<8192x128xf32>
    %dot_general3A_30 = tpu.matmul %reshape3A, %get3A_28, %dot_general3A_29 {dimension_numbers = #tpu.dot_dimension_numbers<[1], [0], [0], [1], [0, 0, 1, 1], [], []>, transpose_lhs_hint = false} : vector<8192x256xf32>, vector<256x128xf32>, vector<8192x128xf32> -> vector<8192x128xf32>
    %get3A_31 = arith.constant 0 : index
    %get3A_32 = arith.constant 0 : index
    %get3A_33 = vector.load %arg13[%get3A_31, %get3A_32] : memref<1x128xf32, #tpu.memory_space<vmem>>, vector<1x128xf32>
    %add3A_34 = vector.broadcast %get3A_33 : vector<1x128xf32> to vector<8192x128xf32>
    %add3A_35 = arith.addf %dot_general3A_30, %add3A_34 : vector<8192x128xf32>
    %reshape3A_36 = vector.shape_cast %add3A_35 : vector<8192x128xf32> to vector<64x128x128xf32>
    %transpose3A = tpu.transpose %reshape3A_36, [0, 2, 1] : vector<64x128x128xf32> -> vector<64x128x128xf32>
    %swap3A = arith.constant 0 : index
    %swap3A_37 = arith.constant 0 : index
    %swap3A_38 = arith.constant 0 : index
    %swap3A_39 = vector.load %arg8[%swap3A, %swap3A_37, %swap3A_38] : memref<128x128x128xf32, #tpu.memory_space<vmem>>, vector<64x128x128xf32>
    tpu.vector_store %arg8[%swap3A, %swap3A_37, %swap3A_38], %transpose3A {strides = array<i32>} : memref<128x128x128xf32, #tpu.memory_space<vmem>>, vector<64x128x128xf32>,
    %slice3A_40 = vector.extract_strided_slice %add3A_11 {offsets = [64, 0], sizes = [64, 256], strides = [1, 1]} : vector<128x256xf32> to vector<64x256xf32>
    %broadcast_in_dim3A_41 = vector.shape_cast %slice3A_40 : vector<64x256xf32> to vector<64x1x256xf32>
    %broadcast_in_dim3A_42 = vector.shape_cast %dot_general3A_19 : vector<128x256xf32> to vector<1x128x256xf32>
    %add3A_43 = vector.broadcast %broadcast_in_dim3A_41 : vector<64x1x256xf32> to vector<64x128x256xf32>
    %add3A_44 = vector.broadcast %broadcast_in_dim3A_42 : vector<1x128x256xf32> to vector<64x128x256xf32>
    %add3A_45 = arith.addf %add3A_43, %add3A_44 : vector<64x128x256xf32>
    %max3A_46 = arith.constant 0.000000e+00 : f32
    %max3A_47 = vector.broadcast %max3A_46 : f32 to vector<64x128x256xf32>
    %max3A_48 = arith.maximumf %add3A_45, %max3A_47 : vector<64x128x256xf32>
    %reshape3A_49 = vector.shape_cast %max3A_48 : vector<64x128x256xf32> to vector<8192x256xf32>
    %get3A_50 = arith.constant 0 : index
    %get3A_51 = arith.constant 0 : index
    %get3A_52 = vector.load %arg12[%get3A_50, %get3A_51] : memref<256x128xf32, #tpu.memory_space<vmem>>, vector<256x128xf32>
    %dot_general3A_53 = arith.constant dense<0.000000e+00> : vector<8192x128xf32>
    %dot_general3A_54 = tpu.matmul %reshape3A_49, %get3A_52, %dot_general3A_53 {dimension_numbers = #tpu.dot_dimension_numbers<[1], [0], [0], [1], [0, 0, 1, 1], [], []>, transpose_lhs_hint = false} : vector<8192x256xf32>, vector<256x128xf32>, vector<8192x128xf32> -> vector<8192x128xf32>
    %get3A_55 = arith.constant 0 : index
    %get3A_56 = arith.constant 0 : index
    %get3A_57 = vector.load %arg13[%get3A_55, %get3A_56] : memref<1x128xf32, #tpu.memory_space<vmem>>, vector<1x128xf32>
    %add3A_58 = vector.broadcast %get3A_57 : vector<1x128xf32> to vector<8192x128xf32>
    %add3A_59 = arith.addf %dot_general3A_54, %add3A_58 : vector<8192x128xf32>
    %reshape3A_60 = vector.shape_cast %add3A_59 : vector<8192x128xf32> to vector<64x128x128xf32>
    %transpose3A_61 = tpu.transpose %reshape3A_60, [0, 2, 1] : vector<64x128x128xf32> -> vector<64x128x128xf32>
    %swap3A_62 = arith.constant 64 : index
    %swap3A_63 = arith.constant 0 : index
    %swap3A_64 = arith.constant 0 : index
    %swap3A_65 = vector.load %arg8[%swap3A_62, %swap3A_63, %swap3A_64] : memref<128x128x128xf32, #tpu.memory_space<vmem>>, vector<64x128x128xf32>
    tpu.vector_store %arg8[%swap3A_62, %swap3A_63, %swap3A_64], %transpose3A_61 {strides = array<i32>} : memref<128x128x128xf32, #tpu.memory_space<vmem>>, vector<64x128x128xf32>,
    return
  }
  func.func @transform_0(%arg0: i32, %arg1: i32) -> (i32, i32) {
    %c0_i32 = arith.constant 0 : i32
    %c0_i32_0 = arith.constant 0 : i32
    return %arg0, %c0_i32 : i32, i32
  }
  func.func @transform_1(%arg0: i32, %arg1: i32) -> (i32, i32) {
    %c0_i32 = arith.constant 0 : i32
    %c0_i32_0 = arith.constant 0 : i32
    %c0_i32_1 = arith.constant 0 : i32
    return %c0_i32, %c0_i32_0 : i32, i32
  }
  func.func @transform_2(%arg0: i32, %arg1: i32) -> (i32, i32) {
    %c0_i32 = arith.constant 0 : i32
    %c0_i32_0 = arith.constant 0 : i32
    %c0_i32_1 = arith.constant 0 : i32
    return %c0_i32, %c0_i32_0 : i32, i32
  }
  func.func @transform_3(%arg0: i32, %arg1: i32) -> (i32, i32) {
    %c0_i32 = arith.constant 0 : i32
    %c0_i32_0 = arith.constant 0 : i32
    %c0_i32_1 = arith.constant 0 : i32
    return %c0_i32, %c0_i32_0 : i32, i32
  }
  func.func @transform_4(%arg0: i32, %arg1: i32) -> (i32, i32) {
    %c0_i32 = arith.constant 0 : i32
    %c0_i32_0 = arith.constant 0 : i32
    %c0_i32_1 = arith.constant 0 : i32
    return %c0_i32, %c0_i32_0 : i32, i32
  }
  func.func @transform_5(%arg0: i32, %arg1: i32) -> (i32, i32) {
    %c0_i32 = arith.constant 0 : i32
    %c0_i32_0 = arith.constant 0 : i32
    %c0_i32_1 = arith.constant 0 : i32
    return %c0_i32, %c0_i32_0 : i32, i32
  }
  func.func @transform_6(%arg0: i32, %arg1: i32) -> (i32, i32, i32) {
    %c0_i32 = arith.constant 0 : i32
    %c0_i32_0 = arith.constant 0 : i32
    return %arg0, %c0_i32, %arg1 : i32, i32, i32
  }
}

</mosaic_0001>

<sc_bundles>
// kernel: kernel.4.cloned.1.call-start
scs
__scs_entry_jumppad:
0x0: {  	(pc) =	sbr.rel $0x88, $3  }
0x1: {  	(tag) =	ssettag $0x0;
	lr =	simm.s32 $0x1  }
0x2: {  	[smem:$0x3F9A] =	sst lr;
	_ =	strace $0xD0000000  }
0x3: {  	_ = 	snop  }
0x4: {  	_ = 	snop  }
0x5: {  	_ = 	snop  }
0x6: {  	_ = 	snop  }
0x7: {  	_ = 	snop  }
__scs_overlays_trampoline_lowered:
0x8: {  	[smem:$0x3FA9] =	sst s0  }
0x9: {  	[smem:$0x3FAA] =	sst s1  }
0xa: {  	[smem:$0x3FAB] =	sst s2  }
0xb: {  	[smem:$0x3FAC] =	sst s3  }
0xc: {  	[smem:$0x3FAD] =	sst s4  }
0xd: {  	[smem:$0x3FAE] =	sst s5  }
0xe: {  	[smem:$0x3FAF] =	sst s6  }
0xf: {  	[smem:$0x3FB0] =	sst s7  }
0x10: {  	[smem:$0x3FB1] =	sst s8  }
0x11: {  	[smem:$0x3FB2] =	sst s9;
	s0 =	simm.s32 @!p0 $0x0  }
0x12: {  	s1 =	sld [smem:$0x3F98];
	s0 =	simm.s32 @p0 $0x1  }
0x13: {  	[smem:$0x3FB3] =	sst s0;
	s0 =	simm.s32 @!p1 $0x0  }
0x14: {  	s2 =	sld [smem:$0x3F97];
	s0 =	simm.s32 @p1 $0x1  }
0x15: {  	[smem:$0x3FB4] =	sst s0;
	s0 =	simm.s32 @!p2 $0x0  }
0x16: {  	s3 =	sld [smem:$0x3FDB];
	s0 =	simm.s32 @p2 $0x1  }
0x17: {  	s4 =	simm.s32 $0x1BF5;
	[smem:$0x3FB6] =	sst s0  }
0x18: {  	s0 =	sld [smem:$0x3F99];
	_ =	swait.ge [sflag:s4], $0x0  }
0x19: {  	s7 =	sld [smem:$0x3F9A]  }
0x1a: {  	s8 =	sadd.s32 $0xFFFFE003, lr  }
0x1b: {  	s9 =	sadd.s32 $0xFFFFFEF7, lr;
	s5 =	simm.s32 $0xFFFFFFFF;
	p2 =	slt.u32 s8, $0xFFFFF086  }
0x1c: {  	p1 =	slt.u32 s9, $0xF7A;
	s5 =	simm.s32 @!p2 $0x0  }
0x1d: {  	s5 =	simm.s32 @p1 $0x1;
	p0 =	seq.s32 s7, s2  }
0x1e: {  	s7 =	smul.u32 @!p0 $0xF7A, s2;
	p2 =	seq.s32 @!p0 s5, $0x0  }
0x1f: {  	s9 =	smul.u32 $0xF7A, s1;
	s8 =	simm.s32 @!p0 $0x1BF5;
	p2 =	por !p2, p0  }
0x20: {  	[sflag:s8] =	ssyncset.s32 @!p0 $0xFFFFF086;
	s6 =	sadd.s32 @!p0 s3, s7;
	s7 =	simm.s32 @!p0 $0x108  }
0x21: {  	s3 =	sadd.s32 s3, s9;
	s6 =	sadd.s32 @!p0 $0x88, s6;
	s7 =	simm.s32 @p2 $0x1082  }
0x22: {  	[simem:s7], [sflag:s8] =	dma.local @!p0 [hbm:s6], $0xF7A  }
0x23: {  	s9 =	sor.u32 $0xD0000000, s2;
	s6 =	simm.s32 $0x108;
	_ =	swait.ge @!p0 [sflag:s8], $0x0  }
0x24: {  	s3 =	sadd.s32 $0x88, s3;
	s6 =	simm.s32 @!p1 $0x1082;
	[sflag:s4] =	ssyncset.s32 $0xFFFFF086  }
0x25: {  	[simem:s6], [sflag:s4] =	dma.local [hbm:s3], $0xF7A  }
0x26: {  	[smem:$0x3F9A] =	sst s1;
	(tag) =	ssettag s2;
	_ =	strace s9  }
0x27: {  	s1 =	sld [smem:$0x3FAA]  }
0x28: {  	s2 =	sld [smem:$0x3FAB]  }
0x29: {  	s4 =	sld [smem:$0x3FAD]  }
0x2a: {  	p0 =	seq.s32 s5, $0x0;
	s5 =	sld [smem:$0x3FAE]  }
0x2b: {  	s6 =	sld [smem:$0x3FAF]  }
0x2c: {  	s7 =	sld [smem:$0x3FB0]  }
0x2d: {  	s3 =	simm.s32 $0x108;
	s8 =	sld [smem:$0x3FB1]  }
0x2e: {  	s3 =	simm.s32 @!p0 $0x1082;
	s9 =	sld [smem:$0x3FB2]  }
0x2f: {  	lr =	sadd.s32 s0, s3;
	s0 =	sld [smem:$0x3FA9]  }
0x30: {  	s3 =	sld [smem:$0x3FAC]  }
0x31: {  	[smem:$0x3FB5] =	sst s10  }
0x32: {  	s10 =	sld [smem:$0x3FB3];
	_ =	sdelay $0x3  }
0x33: {  	p0 =	seq.s32 s10, $0x1;
	s10 =	sld [smem:$0x3FB5];
	_ =	sdelay $0x3  }
0x34: {  	[smem:$0x3FB5] =	sst s10  }
0x35: {  	s10 =	sld [smem:$0x3FB4];
	_ =	sdelay $0x3  }
0x36: {  	p1 =	seq.s32 s10, $0x1;
	s10 =	sld [smem:$0x3FB5];
	_ =	sdelay $0x3  }
0x37: {  	[smem:$0x3FB5] =	sst s10  }
0x38: {  	s10 =	sld [smem:$0x3FB6]  }
0x39: {  	_ = 	snop;
	(pc) =	sbr.ind lr, $3  }
0x3a: {  	_ = 	snop  }
0x3b: {  	_ = 	snop  }
0x3c: {  	p2 =	seq.s32 s10, $0x1;
	s10 =	sld [smem:$0x3FB5]  }
0x3d: {  	_ =	shalt  }
0x3e: {  	_ =	shalt  }
0x3f: {  	_ =	shalt  }
0x40: {  	_ =	shalt  }
0x41: {  	_ =	shalt  }
0x42: {  	_ =	shalt  }
0x43: {  	_ =	shalt  }
0x44: {  	_ =	shalt  }
0x45: {  	_ =	shalt  }
0x46: {  	_ =	shalt  }
0x47: {  	_ =	shalt  }
0x48: {  	_ =	shalt  }
0x49: {  	_ =	shalt  }
0x4a: {  	_ =	shalt  }
0x4b: {  	_ =	shalt  }
0x4c: {  	_ =	shalt  }
0x4d: {  	_ =	shalt  }
0x4e: {  	_ =	shalt  }
0x4f: {  	_ =	shalt  }
0x50: {  	_ =	shalt  }
0x51: {  	_ =	shalt  }
0x52: {  	_ =	shalt  }
0x53: {  	_ =	shalt  }
0x54: {  	_ =	shalt  }
0x55: {  	_ =	shalt  }
0x56: {  	_ =	shalt  }
0x57: {  	_ =	shalt  }
0x58: {  	_ =	shalt  }
0x59: {  	_ =	shalt  }
0x5a: {  	_ =	shalt  }
0x5b: {  	_ =	shalt  }
0x5c: {  	_ =	shalt  }
0x5d: {  	_ =	shalt  }
0x5e: {  	_ =	shalt  }
0x5f: {  	_ =	shalt  }
0x60: {  	_ =	shalt  }
0x61: {  	_ =	shalt  }
0x62: {  	_ =	shalt  }
0x63: {  	_ =	shalt  }
0x64: {  	_ =	shalt  }
0x65: {  	_ =	shalt  }
0x66: {  	_ =	shalt  }
0x67: {  	_ =	shalt  }
0x68: {  	_ =	shalt  }
0x69: {  	_ =	shalt  }
0x6a: {  	_ =	shalt  }
0x6b: {  	_ =	shalt  }
0x6c: {  	_ =	shalt  }
0x6d: {  	_ =	shalt  }
0x6e: {  	_ =	shalt  }
0x6f: {  	_ =	shalt  }
0x70: {  	_ =	shalt  }
0x71: {  	_ =	shalt  }
0x72: {  	_ =	shalt  }
0x73: {  	_ =	shalt  }
0x74: {  	_ =	shalt  }
0x75: {  	_ =	shalt  }
0x76: {  	_ =	shalt  }
0x77: {  	_ =	shalt  }
0x78: {  	_ =	shalt  }
0x79: {  	_ =	shalt  }
0x7a: {  	_ =	shalt  }
0x7b: {  	_ =	shalt  }
0x7c: {  	_ =	shalt  }
0x7d: {  	_ =	shalt  }
0x7e: {  	_ =	shalt  }
0x7f: {  	_ =	shalt  }
0x80: {  	_ =	shalt  }
0x81: {  	_ =	shalt  }
0x82: {  	_ =	shalt  }
0x83: {  	_ =	shalt  }
0x84: {  	_ =	shalt  }
0x85: {  	_ =	shalt  }
0x86: {  	_ =	shalt  }
0x87: {  	_ =	shalt  }
.Lfunc_end0:
.L_simem_size_0:
called_computation_lowered:
.L_overlay_start_0:
0x88: {  	s2 =	sld [smem:$0x3FD9]  }
0x89: {  	s3 =	sld [smem:$0x3FFE];
	_ =	sdelay $0x1  }
0x8a: {  	s1 =	srdreg.scid  }
0x8b: {  	s0 =	sand.u32 $0x1, s1  }
0x8c: {  	s17 =	sshll.u32 s0, $0xA;
	s2 =	sadd.s32 s3, s2  }
0x8d: {  	s2 =	sadd.s32 s2, s17  }
0x8e: {  	[smem:$0x3FC1] =	sst s2  }
0x8f: {  	_ = 	snop  }
0x90: {  	s2 =	sld [smem:$0x3FC9]  }
0x91: {  	s18 =	sld [smem:$0x3FD0];
	(tm) =	ssettm $0x1  }
0x92: {  	s4 =	sld [smem:$0x3FFB];
	_ =	sdelay $0x3  }
0x93: {  	_ =	strace s4  }
0x94: {  	s4 =	sld [smem:$0x3FFC];
	_ =	sdelay $0x3  }
0x95: {  	_ =	strace s4  }
0x96: {  	s4 =	sld [smem:$0x3FFD];
	_ =	sdelay $0x3  }
0x97: {  	_ =	strace s4  }
0x98: {  	_ =	strace $0x8FFFFFFF  }
0x99: {  	s19 =	sld [smem:$0x3FDB];
	_ =	sdelay $0x1  }
0x9a: {  	s5 =	simm.s32 $_scs_section_size  }
0x9b: {  	s6 =	simm.s32 $_size__tile_overlayer_lowered;
	s7 =	simm.s32 $_tile_overlayer_lowered  }
0x9c: {  	s22 =	simm.s32 $0x1BFF;
	s21 =	sshll.u32 s7, $0x1;
	s4 =	sadd.s32 s5, s19  }
0x9d: {  	s8 =	simm.s32 $0x0;
	s20 =	sshll.u32 s6, $0x1;
	s6 =	sadd.s32 s21, s4  }
0x9e: {  	[timem:s8], [sflag:s22] =	dma.local [hbm:s6], s20  }
0x9f: {  	_ =	swait.ge [sflag:s22], s20  }
0xa0: {  	s5 =	ssub.s32 $0x0, s20;
	[sflag:s22] =	ssyncset.done $0x0  }
0xa1: {  	[sflag:s22] =	ssyncadd.s32 s5;
	_ =	sdelay $0x1  }
0xa2: {  	s23 =	simm.s32 $0x1B8B  }
0xa3: {  	_ =	swait.ge [sflag:s23], $0x1  }
0xa4: {  	[sflag:s23] =	ssyncset.done $0x0  }
0xa5: {  	s25 =	simm.s32 $0x1B8E;
	s24 =	sld [smem:$0x3FFE];
	[sflag:s23] =	ssyncadd.s32 $0xFFFFFFFF  }
0xa6: {  	s26 =	simm.s32 $execute0_lowered;
	[smem:$0x3FD2] =	sst s25  }
0xa7: {  	s6 =	sshll.u32 s26, $0x1;
	_ =	strace $0x80000046;
	[dreg:$0x1] =	wrdreg $0xFFFFFFFF  }
0xa8: {  	s28 =	simm.s32 $_size_execute0_lowered;
	s4 =	sadd.s32 s4, s6;
	[dreg:$0x0] =	wrdreg $0x0  }
0xa9: {  	s6 =	sshll.u32 s28, $0x1;
	[dreg:$0x2] =	wrdreg s4  }
0xaa: {  	[dreg:$0x3] =	wrdreg s6  }
0xab: {  	[dreg:$0x4] =	wrdreg $0xC0  }
0xac: {  	_ =	task [dreg:s8], $0x5FFFF  }
0xad: {  	[dreg:$0x1] =	wrdreg $0xFFFFFFFF  }
0xae: {  	[dreg:$0x0] =	wrdreg $0x60  }
0xaf: {  	[dreg:$0x2] =	wrdreg s2  }
0xb0: {  	[dreg:$0x3] =	wrdreg s24  }
0xb1: {  	[dreg:$0x4] =	wrdreg s18  }
0xb2: {  	[dreg:$0x5] =	wrdreg $0x9  }
0xb3: {  	_ =	task.clear_ibuf [dreg:s8], $0x6FFFF;
	_ =	strace $0x90000046  }
0xb4: {  	s29 =	simm.s32 $0x9;
	_ =	strace $0x80000048  }
0xb5: {  	_ =	swait.ge [sflag:s29], $0x1  }
0xb6: {  	[sflag:s29] =	ssyncadd.s32 $0xFFFFFFFF  }
0xb7: {  	_ =	strace $0x90000048  }
0xb8: {  	_ =	sfence  }
0xb9: {  	s30 =	sld [smem:$0x0];
	_ =	sdelay $0x2  }
0xba: {  	s31 =	sshll.u32 s1, $0xD;
	s1 =	sshrl.u32 s1, $0x2  }
0xbb: {  	s3 =	sand.u32 $0x4000, s31;
	s1 =	sadd.s32 s1, s30  }
0xbc: {  	s0 =	sor.u32 s3, s0;
	s1 =	sshll.u32 s1, $0x11  }
0xbd: {  	s0 =	sor.u32 s1, s0  }
0xbe: {  	s0 =	sadd.s32 $0x8F2B, s0  }
0xbf: {  	[sflag:s0] =	ssyncadd.remote.s32 $0x1  }
0xc0: {  	_ =	sfence.sel $0xFFFF  }
0xc1: {  	[dreg:$0x0] =	wrdreg $0xFFFFFFFF;
	(pc) =	sbr.abs _section_cstart, $3  }
0xc2: {  	[dreg:$0x1] =	wrdreg $0xFFFFFFFF  }
0xc3: {  	_ =	task.clear_ibuf [dreg:s8], $0x2FFFF;
	_ =	strace $0x9FFFFFFF  }
0xc4: {  	(tm) =	ssettm $0x7FFFFFFF  }
0xc5: {  	_ =	shalt  }
tec
execute0_lowered:
.L_overlay_start_1:
0x0: {  	(tag) =	ssettag $0x1  }
0x1: {  	s1 =	rddreg [dreg:$0x0]  }
0x2: {  	s21 =	rddreg [dreg:$0x1]  }
0x3: {  	s9 =	rddreg [dreg:$0x2]  }
0x4: {  	s0 =	rddreg [dreg:$0x3]  }
0x5: {  	s3 =	simm.s32 $0x0;
	s4 =	srdreg.scid;
	s2 =	stileid.u32  }
0x6: {  	s18 =	sadd.s32 $0x1000, s21;
	s24 =	sand.u32 $0x1, s4;
	s23 =	sshll.u32 s2, $0x2  }
0x7: {  	s5 =	sshll.u32 s2, $0x3;
	s6 =	sadd.s32 $0x1010, s21;
	p0 =	seq.s32 s24, $0x1  }
0x8: {  	s5 =	sand.u32 $0x60, s5;
	s4 =	sand.u32 $0xC, s23;
	s12 =	smov.u32 s18  }
0x9: {  	[smem:$0x7FF] =	sst s3;
	s4 =	sor.u32 s4, s5;
	s12 =	smov.u32 @p0 s6  }
0xa: {  	_ =	strace $0x80000047;
	s5 =	sadd.s32 s4, s12;
	s4 =	simm.s32 $0x2  }
0xb: {  	[tilespmem:s3], [sflag:$0x2] =	stream.linear.gather [hbm4b:s5+s3], $0x20, $0x38;
	[tilespmem:$0x2100] =	vst v63  }
0xc: {  	_ =	swait.ge [sflag:s4], $0x20  }
0xd: {  	s7 =	simm.s32 $0x80;
	[sflag:s4] =	ssyncset.done $0x0  }
0xe: {  	s8 =	simm.s32 $0x1;
	s6 =	simm.s32 $0x20;
	[sflag:s4] =	ssyncadd.s32 $0xFFFFFFE0  }
0xf: {  	[tilespmem:s7], [sflag:$0x1] =	stream.indirect.gather [hbm4b:s1+s6], $0x80, s3, s6, $0xb8;
	[tilespmem:$0x2100] =	vst v63  }
0x10: {  	s11 =	simm.s32 $0x800;
	s10 =	sadd.s32 $0x80, s9;
	_ =	swait.ge [sflag:s8], $0x1000  }
0x11: {  	s26 =	sshll.u32 s2, $0xA;
	s9 =	smov.u32 @p0 s10;
	[sflag:s8] =	ssyncset.done $0x0  }
0x12: {  	s10 =	simm.s32 $0x400;
	s9 =	sadd.s32 s26, s9;
	[sflag:s8] =	ssyncadd.s32 $0xFFFFF000  }
0x13: {  	[hbm4b:s9+s10] =	stream.strided.scatter [tilespmem:s7], [sflag:$0x2], $0x1000, s11, s10, $0x38;
	[tilespmem:$0x2100] =	vst v63  }
0x14: {  	_ =	swait.ge [sflag:s4], $0x1000  }
0x15: {  	s14 =	simm.s32 $0x30;
	[sflag:s4] =	ssyncset.done $0x0  }
0x16: {  	s13 =	simm.s32 $0x1080;
	s12 =	sadd.s32 s2, s12;
	[sflag:s4] =	ssyncadd.s32 $0xFFFFF000  }
0x17: {  	[tilespmem:s13], [sflag:$0x2] =	stream.linear.gather [hbm4b:s12+s3], $0x8, $0x38;
	[tilespmem:$0x2100] =	vst v63  }
0x18: {  	s14 =	simm.s32 @!p0 $0x20;
	_ =	swait.ge [sflag:s4], $0x8  }
0x19: {  	s16 =	simm.s32 $0x50;
	s14 =	sadd.s32 s14, s18;
	[sflag:s4] =	ssyncset.done $0x0  }
0x1a: {  	s15 =	simm.s32 $0x1088;
	s14 =	sadd.s32 s2, s14;
	[sflag:s4] =	ssyncadd.s32 $0xFFFFFFF8  }
0x1b: {  	[tilespmem:s15], [sflag:$0x2] =	stream.linear.gather [hbm4b:s14+s3], $0x8, $0x38;
	[tilespmem:$0x2100] =	vst v63  }
0x1c: {  	s16 =	simm.s32 @!p0 $0x40;
	_ =	swait.ge [sflag:s4], $0x8  }
0x1d: {  	s19 =	simm.s32 $0x70;
	s16 =	sadd.s32 s16, s18;
	[sflag:s4] =	ssyncset.done $0x0  }
0x1e: {  	s17 =	simm.s32 $0x1090;
	s16 =	sadd.s32 s2, s16;
	[sflag:s4] =	ssyncadd.s32 $0xFFFFFFF8  }
0x1f: {  	[tilespmem:s17], [sflag:$0x2] =	stream.linear.gather [hbm4b:s16+s3], $0x8, $0x38;
	[tilespmem:$0x2100] =	vst v63  }
0x20: {  	s19 =	simm.s32 @!p0 $0x60;
	_ =	swait.ge [sflag:s4], $0x8  }
0x21: {  	s18 =	sadd.s32 s19, s18;
	[sflag:s4] =	ssyncset.done $0x0  }
0x22: {  	s19 =	simm.s32 $0x1098;
	s18 =	sadd.s32 s2, s18;
	[sflag:s4] =	ssyncadd.s32 $0xFFFFFFF8  }
0x23: {  	[tilespmem:s19], [sflag:$0x2] =	stream.linear.gather [hbm4b:s18+s3], $0x8, $0x38;
	[tilespmem:$0x2100] =	vst v63  }
0x24: {  	_ =	swait.ge [sflag:s4], $0x8  }
0x25: {  	s20 =	simm.s32 $0x1100;
	[sflag:s4] =	ssyncset.done $0x0  }
0x26: {  	s28 =	sadd.s32 $0x1200, s21;
	s21 =	sadd.s32 $0x1280, s21;
	[sflag:s4] =	ssyncadd.s32 $0xFFFFFFF8  }
0x27: {  	[tilespmem:s20], [sflag:$0x1] =	stream.indirect.gather [hbm4b:s1+s6], $0x80, s13, s6, $0xb8;
	[tilespmem:$0x2100] =	vst v63  }
0x28: {  	s22 =	smov.u32 s28;
	s23 =	simm.s32 $0x180;
	_ =	swait.ge [sflag:s8], $0x1000  }
0x29: {  	s29 =	ssub.s32 $0x2, s24;
	s22 =	smov.u32 @p0 s21;
	[sflag:s8] =	ssyncset.done $0x0  }
0x2a: {  	s23 =	simm.s32 @!p0 $0x100;
	s21 =	sadd.s32 s26, s22;
	[sflag:s8] =	ssyncadd.s32 $0xFFFFF000  }
0x2b: {  	[hbm4b:s21+s3] =	stream.linear.scatter [tilespmem:s20], [sflag:$0x2], $0x400, $0x38;
	[tilespmem:$0x2100] =	vst v63  }
0x2c: {  	s31 =	sshrl.u32 s29, $0x1;
	s25 =	sadd.s32 s23, s28;
	_ =	swait.ge [sflag:s4], $0x400  }
0x2d: {  	s23 =	simm.s32 $0x1500;
	s29 =	ssub.s32 s29, s31;
	[sflag:s4] =	ssyncset.done $0x0  }
0x2e: {  	s22 =	sadd.s32 s26, s25;
	s25 =	simm.s32 $0x280;
	[sflag:s4] =	ssyncadd.s32 $0xFFFFFC00  }
0x2f: {  	[hbm4b:s22+s3] =	stream.linear.scatter [tilespmem:s23], [sflag:$0x2], $0x400, $0x38;
	[tilespmem:$0x2100] =	vst v63  }
0x30: {  	s29 =	smax.u32 s29, $0x1;
	s25 =	simm.s32 @!p0 $0x200;
	_ =	swait.ge [sflag:s4], $0x400  }
0x31: {  	s30 =	sadd.s32 s25, s28;
	s25 =	simm.s32 $0x1900;
	[sflag:s4] =	ssyncset.done $0x0  }
0x32: {  	s24 =	sadd.s32 s26, s30;
	s30 =	simm.s32 $0x380;
	[sflag:s4] =	ssyncadd.s32 $0xFFFFFC00  }
0x33: {  	[hbm4b:s24+s3] =	stream.linear.scatter [tilespmem:s25], [sflag:$0x2], $0x400, $0x38;
	[tilespmem:$0x2100] =	vst v63  }
0x34: {  	s30 =	simm.s32 @!p0 $0x300;
	p0 =	sne.s32 s29, $0x1;
	_ =	swait.ge [sflag:s4], $0x400  }
.Ltmp0:
0x35: {  	s28 =	sadd.s32 s30, s28;
	[sflag:s4] =	ssyncset.done $0x0;
	(pc) =	sbr.rel @!p0 .LBB2_2-.Ltmp0, $4  }
0x36: {  	s26 =	sadd.s32 s26, s28;
	s28 =	simm.s32 $0x1D00;
	[sflag:s4] =	ssyncadd.s32 $0xFFFFFC00  }
0x37: {  	[hbm4b:s26+s3] =	stream.linear.scatter [tilespmem:s28], [sflag:$0x2], $0x400, $0x38;
	[tilespmem:$0x2100] =	vst v63  }
0x38: {  	_ =	swait.ge [sflag:s4], $0x400  }
0x39: {  	s29 =	sadd.s32 $0xFFFFFFFF, s29;
	[sflag:s4] =	ssyncset.done $0x0  }
.LBB2_1:
0x3a: {  	p0 =	sne.s32 s29, $0x1;
	s29 =	sadd.s32 $0xFFFFFFFF, s29;
	[sflag:s4] =	ssyncadd.s32 $0xFFFFFC00  }
0x3b: {  	[tilespmem:s3], [sflag:$0x2] =	stream.linear.gather [hbm4b:s5+s3], $0x20, $0x38;
	[tilespmem:$0x2100] =	vst v63  }
0x3c: {  	_ =	swait.ge [sflag:s4], $0x20  }
0x3d: {  	[sflag:s4] =	ssyncset.done $0x0  }
0x3e: {  	[sflag:s4] =	ssyncadd.s32 $0xFFFFFFE0  }
0x3f: {  	[tilespmem:s7], [sflag:$0x1] =	stream.indirect.gather [hbm4b:s1+s6], $0x80, s3, s6, $0xb8;
	[tilespmem:$0x2100] =	vst v63  }
0x40: {  	_ =	swait.ge [sflag:s8], $0x1000  }
0x41: {  	[sflag:s8] =	ssyncset.done $0x0  }
0x42: {  	[sflag:s8] =	ssyncadd.s32 $0xFFFFF000  }
0x43: {  	[hbm4b:s9+s10] =	stream.strided.scatter [tilespmem:s7], [sflag:$0x2], $0x1000, s11, s10, $0x38;
	[tilespmem:$0x2100] =	vst v63  }
0x44: {  	_ =	swait.ge [sflag:s4], $0x1000  }
0x45: {  	[sflag:s4] =	ssyncset.done $0x0  }
0x46: {  	[sflag:s4] =	ssyncadd.s32 $0xFFFFF000  }
0x47: {  	[tilespmem:s13], [sflag:$0x2] =	stream.linear.gather [hbm4b:s12+s3], $0x8, $0x38;
	[tilespmem:$0x2100] =	vst v63  }
0x48: {  	_ =	swait.ge [sflag:s4], $0x8  }
0x49: {  	[sflag:s4] =	ssyncset.done $0x0  }
0x4a: {  	[sflag:s4] =	ssyncadd.s32 $0xFFFFFFF8  }
0x4b: {  	[tilespmem:s15], [sflag:$0x2] =	stream.linear.gather [hbm4b:s14+s3], $0x8, $0x38;
	[tilespmem:$0x2100] =	vst v63  }
0x4c: {  	_ =	swait.ge [sflag:s4], $0x8  }
0x4d: {  	[sflag:s4] =	ssyncset.done $0x0  }
0x4e: {  	[sflag:s4] =	ssyncadd.s32 $0xFFFFFFF8  }
0x4f: {  	[tilespmem:s17], [sflag:$0x2] =	stream.linear.gather [hbm4b:s16+s3], $0x8, $0x38;
	[tilespmem:$0x2100] =	vst v63  }
0x50: {  	_ =	swait.ge [sflag:s4], $0x8  }
0x51: {  	[sflag:s4] =	ssyncset.done $0x0  }
0x52: {  	[sflag:s4] =	ssyncadd.s32 $0xFFFFFFF8  }
0x53: {  	[tilespmem:s19], [sflag:$0x2] =	stream.linear.gather [hbm4b:s18+s3], $0x8, $0x38;
	[tilespmem:$0x2100] =	vst v63  }
0x54: {  	_ =	swait.ge [sflag:s4], $0x8  }
0x55: {  	[sflag:s4] =	ssyncset.done $0x0  }
0x56: {  	[sflag:s4] =	ssyncadd.s32 $0xFFFFFFF8  }
0x57: {  	[tilespmem:s20], [sflag:$0x1] =	stream.indirect.gather [hbm4b:s1+s6], $0x80, s13, s6, $0xb8;
	[tilespmem:$0x2100] =	vst v63  }
0x58: {  	_ =	swait.ge [sflag:s8], $0x1000  }
0x59: {  	[sflag:s8] =	ssyncset.done $0x0  }
0x5a: {  	[sflag:s8] =	ssyncadd.s32 $0xFFFFF000  }
0x5b: {  	[hbm4b:s21+s3] =	stream.linear.scatter [tilespmem:s20], [sflag:$0x2], $0x400, $0x38;
	[tilespmem:$0x2100] =	vst v63  }
0x5c: {  	_ =	swait.ge [sflag:s4], $0x400  }
0x5d: {  	[sflag:s4] =	ssyncset.done $0x0  }
0x5e: {  	[sflag:s4] =	ssyncadd.s32 $0xFFFFFC00  }
0x5f: {  	[hbm4b:s22+s3] =	stream.linear.scatter [tilespmem:s23], [sflag:$0x2], $0x400, $0x38;
	[tilespmem:$0x2100] =	vst v63  }
0x60: {  	_ =	swait.ge [sflag:s4], $0x400  }
0x61: {  	[sflag:s4] =	ssyncset.done $0x0  }
0x62: {  	[sflag:s4] =	ssyncadd.s32 $0xFFFFFC00  }
0x63: {  	[hbm4b:s24+s3] =	stream.linear.scatter [tilespmem:s25], [sflag:$0x2], $0x400, $0x38;
	[tilespmem:$0x2100] =	vst v63  }
0x64: {  	_ =	swait.ge [sflag:s4], $0x400  }
.Ltmp1:
0x65: {  	[sflag:s4] =	ssyncset.done $0x0;
	(pc) =	sbr.rel @p0 .LBB2_1-.Ltmp1, $4  }
0x66: {  	[sflag:s4] =	ssyncadd.s32 $0xFFFFFC00  }
0x67: {  	[hbm4b:s26+s3] =	stream.linear.scatter [tilespmem:s28], [sflag:$0x2], $0x400, $0x38;
	[tilespmem:$0x2100] =	vst v63  }
0x68: {  	_ =	swait.ge [sflag:s4], $0x400  }
0x69: {  	[sflag:s4] =	ssyncset.done $0x0  }
.LBB2_2:
0x6a: {  	[sflag:s4] =	ssyncadd.s32 $0xFFFFFC00  }
0x6b: {  	_ =	sfence.sel $0x180000  }
0x6c: {  	[bflag:$0x0] =	sbarrier.arrive $0xFFFF  }
0x6d: {  	p0 =	sne.s32 s2, $0x0;
	_ =	strace $0x90000047  }
0x6e: {  	s0 =	sadd.s32 @!p0 $0x100000, s0;
	[bflag:$0x2] =	sbarrier.arrive $0xFFFF  }
0x6f: {  	[sflag:s0] =	ssyncadd.tile.s32 @!p0 $0x1;
	_ =	shalt  }
.Lfunc_end2:
_tile_overlayer_lowered:
.L_overlay_start_2:
0x70: {  	(tag) =	ssettag $0x2  }
0x71: {  	s0 =	rddreg [dreg:$0x0];
	s2 =	stileid.u32  }
0x72: {  	s1 =	rddreg [dreg:$0x1];
	p0 =	sne.s32 s2, $0x0  }
0x73: {  	s3 =	rddreg [dreg:$0x2];
	[bflag:$0x3] =	sbarrier.arrive $0xFFFF;
	s2 =	simm.s32 @!p0 $0x1C02  }
0x74: {  	[timem:s3], [sflag:s2] =	dma.local @!p0 [hbm:s0], s1  }
0x75: {  	s0 =	simm.s32 @!p0 $0x2  }
0x76: {  	_ =	swait.ge @!p0 [sflag:s0], s1  }
0x77: {  	s1 =	ssub.s32 @!p0 $0x0, s1;
	[sflag:s0] =	ssyncset.done @!p0 $0x0  }
0x78: {  	[sflag:s0] =	ssyncadd.s32 @!p0 s1  }
0x79: {  	[bflag:$0x3] =	sbarrier.arrive $0xFFFF  }
0x7a: {  	_ =	shalt  }

</sc_bundles>
